<compile_context>
chip_gen: v7x
topology: tpu7x:2x2x1
jax: 0.10.2.dev20260603
libtpu: 0.0.44.dev20260713+nightly
codegen_flags: <defaults>
</compile_context>

<pallas_src>
import functools

import jax
import jax.numpy as jnp
from jax import lax
from jax.experimental import pallas as pl
from jax.experimental.pallas import tpu as pltpu
from jax.experimental.pallas import tpu_sc as plsc

D = 128
L = 16
NCHUNK = D // L


def _rsqrt_newton(v):
    i = lax.bitcast_convert_type(v, jnp.int32)
    i = jnp.int32(0x5F3759DF) - lax.shift_right_arithmetic(i, 1)
    y = lax.bitcast_convert_type(i, jnp.float32)
    half_v = 0.5 * v
    for _ in range(4):
        y = y * (1.5 - half_v * y * y)
    return y


def _make_kernel(n_rows, seq_len, ch):
    info = plsc.get_sparse_core_info()
    nw = info.num_cores * info.num_subcores
    rows_per_w = n_rows // nw
    n_chunks = rows_per_w // ch
    s_chunks = seq_len // ch

    mesh = plsc.VectorSubcoreMesh(core_axis_name="c", subcore_axis_name="s")

    @functools.partial(
        pl.kernel,
        out_type=jax.ShapeDtypeStruct((n_rows, D), jnp.float32),
        mesh=mesh,
        compiler_params=pltpu.CompilerParams(needs_layout_passes=False),
        scratch_types=[
            pltpu.VMEM((seq_len, D), jnp.float32),
            pltpu.VMEM((3, D), jnp.float32),
            pltpu.VMEM((2, D), jnp.float32),
            pltpu.VMEM((ch,), jnp.int32),
            pltpu.VMEM((ch + L,), jnp.int32),
            pltpu.VMEM((ch, D), jnp.float32),
            pltpu.SemaphoreType.DMA,
        ],
    )
    def k(ids_hbm, segids_hbm, table_hbm, seg_hbm, pos_hbm, gamma_hbm,
          beta_hbm, out_hbm, pos_v, seg_v, gb_v, idx_v, sid_v, rows_v, sem):
        wid = lax.axis_index("s") * info.num_cores + lax.axis_index("c")
        base0 = wid * rows_per_w

        pltpu.sync_copy(pos_hbm, pos_v)
        pltpu.sync_copy(seg_hbm, seg_v)
        pltpu.sync_copy(gamma_hbm, gb_v.at[0])
        pltpu.sync_copy(beta_hbm, gb_v.at[1])

        seg0_r = [seg_v[0, pl.ds(c * L, L)] for c in range(NCHUNK)]
        d1_r = [seg_v[1, pl.ds(c * L, L)] - seg0_r[c] for c in range(NCHUNK)]
        d2_r = [seg_v[2, pl.ds(c * L, L)] - seg_v[1, pl.ds(c * L, L)]
                for c in range(NCHUNK)]
        gam_r = [gb_v[0, pl.ds(c * L, L)] for c in range(NCHUNK)]
        bet_r = [gb_v[1, pl.ds(c * L, L)] for c in range(NCHUNK)]

        def chunk_body(g, carry):
            base = base0 + g * ch
            pltpu.sync_copy(ids_hbm.at[pl.ds(base, ch)], idx_v)
            pltpu.sync_copy(segids_hbm.at[pl.ds(base, ch)],
                            sid_v.at[pl.ds(0, ch)])
            pltpu.async_copy(table_hbm.at[idx_v], rows_v, sem).wait()
            s0 = lax.rem(g, s_chunks) * ch

            def row_body(j, carry2):
                sid = sid_v[pl.ds(j, L)][0]
                w1 = (sid >= 1).astype(jnp.float32)
                w2 = (sid >= 2).astype(jnp.float32)
                x = []
                acc = None
                acc2 = None
                for c in range(NCHUNK):
                    t = rows_v[j, pl.ds(c * L, L)]
                    p = pos_v[s0 + j, pl.ds(c * L, L)]
                    sg = seg0_r[c] + w1 * d1_r[c] + w2 * d2_r[c]
                    xc = t + p + sg
                    x.append(xc)
                    acc = xc if acc is None else acc + xc
                    acc2 = xc * xc if acc2 is None else acc2 + xc * xc
                mean = jnp.sum(acc) * (1.0 / D)
                msq = jnp.sum(acc2) * (1.0 / D)
                var = msq - mean * mean
                r = _rsqrt_newton(var + 1e-12)
                for c in range(NCHUNK):
                    y = (x[c] - mean) * r * gam_r[c] + bet_r[c]
                    rows_v[j, pl.ds(c * L, L)] = y
                return carry2

            lax.fori_loop(0, ch, row_body, 0)
            pltpu.sync_copy(rows_v, out_hbm.at[pl.ds(base, ch)])
            return carry

        lax.fori_loop(0, n_chunks, chunk_body, 0)

    return k


def kernel(input_ids, segment_ids, token_table, segment_table, pos_emb,
           gamma, beta):
    b, s = input_ids.shape
    n_rows = b * s
    ids = input_ids.reshape(n_rows)
    sids = segment_ids.reshape(n_rows)
    k = _make_kernel(n_rows, s, 128)
    out = k(ids, sids, token_table, segment_table, pos_emb, gamma, beta)
    return out.reshape(b, s, D)

# --- scband reference (transcript-rebuilt; emitter-appended) ---
"""Pipeline reference for scband-embedding-processor-70325794505466 (READ-ONLY COPY).

The authoritative reference and input builder live on the scoring server;
editing this copy changes nothing except your own understanding.
"""

import jax, jax.numpy as jnp
import numpy as np

B, S, V, D, SEG = 1024, 512, 100000, 128, 3


def setup_inputs(seed: int = 0) -> dict:
    key = jax.random.key(seed)
    k1, k2, k3, k4, k5 = jax.random.split(key, 5)
    input_ids = jax.random.randint(k1, (B, S), 0, V, dtype=jnp.int32)
    segment_ids = jax.random.randint(k2, (B, S), 0, SEG, dtype=jnp.int32)
    token_table = jax.random.truncated_normal(k3, -2.0, 2.0, (V, D), dtype=jnp.float32) * 0.02
    segment_table = jax.random.truncated_normal(k4, -2.0, 2.0, (SEG, D), dtype=jnp.float32) * 0.02
    pos_emb = jax.random.truncated_normal(k5, -2.0, 2.0, (S, D), dtype=jnp.float32) * 0.02
    gamma = jnp.ones((D,), dtype=jnp.float32)
    beta = jnp.zeros((D,), dtype=jnp.float32)
    return {
        'input_ids': input_ids,
        'segment_ids': segment_ids,
        'token_table': token_table,
        'segment_table': segment_table,
        'pos_emb': pos_emb,
        'gamma': gamma,
        'beta': beta,
    }


def reference(input_ids, segment_ids, token_table, segment_table, pos_emb, gamma, beta):
    seq_length = input_ids.shape[1]
    tok = jnp.take(token_table, input_ids, axis=0)
    seg = jnp.take(segment_table, segment_ids, axis=0)
    pos = pos_emb[:seq_length, :][None, :, :]
    out = tok + seg + pos
    mean = jnp.mean(out, axis=-1, keepdims=True)
    var = jnp.mean(jnp.square(out - mean), axis=-1, keepdims=True)
    normed = (out - mean) / jnp.sqrt(var + 1e-12)
    # dropout rate is 0.0 -> identity
    return normed * gamma + beta

if __name__ == "__main__":
    import jax
    _d = setup_inputs()
    print(jax.jit(kernel)(*tuple(_d.values())))

</pallas_src>

<mosaic_0001>
#map = affine_map<(d0, d1) -> (0)>
#map1 = affine_map<(d0, d1) -> (0, 0)>
module attributes {stable_mosaic.version = 14 : i64} {
  func.func @k(%arg0: i32, %arg1: i32, %arg2: memref<524288xi32, #tpu.memory_space<hbm>>, %arg3: memref<524288xi32, #tpu.memory_space<hbm>>, %arg4: memref<100000x128xf32, #tpu.memory_space<hbm>>, %arg5: memref<3x128xf32, #tpu.memory_space<hbm>>, %arg6: memref<512x128xf32, #tpu.memory_space<hbm>>, %arg7: memref<128xf32, #tpu.memory_space<hbm>>, %arg8: memref<128xf32, #tpu.memory_space<hbm>>, %arg9: memref<524288x128xf32, #tpu.memory_space<hbm>>, %arg10: memref<512x128xf32, #tpu.memory_space<vmem>>, %arg11: memref<3x128xf32, #tpu.memory_space<vmem>>, %arg12: memref<2x128xf32, #tpu.memory_space<vmem>>, %arg13: memref<128xi32, #tpu.memory_space<vmem>>, %arg14: memref<144xi32, #tpu.memory_space<vmem>>, %arg15: memref<128x128xf32, #tpu.memory_space<vmem>>, %arg16: memref<!tpu.dma_semaphore, #tpu.memory_space<semaphore_mem>>) attributes {dimension_semantics = [#tpu.dimension_semantics<core_parallel>, #tpu.dimension_semantics<subcore_parallel>], iteration_bounds = array<i64: 2, 16>, scalar_prefetch = 0 : i64, scratch_operands = 7 : i64, tpu.core_type = #tpu.core_type<sc_vector_subcore>, window_params = [{transform_indices = #map}, {transform_indices = #map}, {transform_indices = #map1}, {transform_indices = #map1}, {transform_indices = #map1}, {transform_indices = #map}, {transform_indices = #map}, {transform_indices = #map1}]} {
    %mul3A = arith.constant 2 : i32
    %mul3A_0 = arith.muli %arg1, %mul3A : i32
    %add3A = arith.addi %mul3A_0, %arg0 : i32
    %mul3A_1 = arith.constant 16384 : i32
    %mul3A_2 = arith.muli %add3A, %mul3A_1 : i32
    "tpu.region"() ({
      %run_scoped3A_215 = tpu.sem_alloc : memref<!tpu.dma_semaphore, #tpu.memory_space<semaphore_mem>>
      tpu.enqueue_dma source(%arg6 : memref<512x128xf32, #tpu.memory_space<hbm>>) target(%arg10 : memref<512x128xf32, #tpu.memory_space<vmem>>) target_semaphore(%run_scoped3A_215 : memref<!tpu.dma_semaphore, #tpu.memory_space<semaphore_mem>>)
      tpu.wait_dma2 semaphore(%run_scoped3A_215 : memref<!tpu.dma_semaphore, #tpu.memory_space<semaphore_mem>>) src(%arg6 : memref<512x128xf32, #tpu.memory_space<hbm>>) dst(%arg10 : memref<512x128xf32, #tpu.memory_space<vmem>>)
      tpu.yield
    }) : () -> ()
    "tpu.region"() ({
      %run_scoped3A_215 = tpu.sem_alloc : memref<!tpu.dma_semaphore, #tpu.memory_space<semaphore_mem>>
      tpu.enqueue_dma source(%arg5 : memref<3x128xf32, #tpu.memory_space<hbm>>) target(%arg11 : memref<3x128xf32, #tpu.memory_space<vmem>>) target_semaphore(%run_scoped3A_215 : memref<!tpu.dma_semaphore, #tpu.memory_space<semaphore_mem>>)
      tpu.wait_dma2 semaphore(%run_scoped3A_215 : memref<!tpu.dma_semaphore, #tpu.memory_space<semaphore_mem>>) src(%arg5 : memref<3x128xf32, #tpu.memory_space<hbm>>) dst(%arg11 : memref<3x128xf32, #tpu.memory_space<vmem>>)
      tpu.yield
    }) : () -> ()
    %run_scoped3A = arith.constant 0 : i32
    "tpu.region"() ({
      %run_scoped3A_215 = tpu.sem_alloc : memref<!tpu.dma_semaphore, #tpu.memory_space<semaphore_mem>>
      %dma_start3A = arith.constant 0 : i32
      %dma_start3A_216 = tpu.memref_slice %arg12[%run_scoped3A, %dma_start3A] : memref<2x128xf32, #tpu.memory_space<vmem>> -> memref<1x128xf32, #tpu.memory_space<vmem>>
      %dma_start3A_217 = tpu.memref_squeeze %dma_start3A_216 : memref<1x128xf32, #tpu.memory_space<vmem>> -> memref<128xf32, #tpu.memory_space<vmem>>
      %dma_start3A_218 = arith.constant 0 : i32
      %dma_start3A_219 = tpu.memref_slice %arg12[%run_scoped3A, %dma_start3A_218] : memref<2x128xf32, #tpu.memory_space<vmem>> -> memref<1x128xf32, #tpu.memory_space<vmem>>
      %dma_start3A_220 = tpu.memref_squeeze %dma_start3A_219 : memref<1x128xf32, #tpu.memory_space<vmem>> -> memref<128xf32, #tpu.memory_space<vmem>>
      tpu.enqueue_dma source(%arg7 : memref<128xf32, #tpu.memory_space<hbm>>) target(%dma_start3A_220 : memref<128xf32, #tpu.memory_space<vmem>>) target_semaphore(%run_scoped3A_215 : memref<!tpu.dma_semaphore, #tpu.memory_space<semaphore_mem>>)
      %dma_wait3A = arith.constant 0 : i32
      %dma_wait3A_221 = tpu.memref_slice %arg12[%run_scoped3A, %dma_wait3A] : memref<2x128xf32, #tpu.memory_space<vmem>> -> memref<1x128xf32, #tpu.memory_space<vmem>>
      %dma_wait3A_222 = tpu.memref_squeeze %dma_wait3A_221 : memref<1x128xf32, #tpu.memory_space<vmem>> -> memref<128xf32, #tpu.memory_space<vmem>>
      %dma_wait3A_223 = arith.constant 0 : i32
      %dma_wait3A_224 = tpu.memref_slice %arg12[%run_scoped3A, %dma_wait3A_223] : memref<2x128xf32, #tpu.memory_space<vmem>> -> memref<1x128xf32, #tpu.memory_space<vmem>>
      %dma_wait3A_225 = tpu.memref_squeeze %dma_wait3A_224 : memref<1x128xf32, #tpu.memory_space<vmem>> -> memref<128xf32, #tpu.memory_space<vmem>>
      tpu.wait_dma2 semaphore(%run_scoped3A_215 : memref<!tpu.dma_semaphore, #tpu.memory_space<semaphore_mem>>) src(%arg7 : memref<128xf32, #tpu.memory_space<hbm>>) dst(%dma_wait3A_225 : memref<128xf32, #tpu.memory_space<vmem>>)
      tpu.yield
    }) : () -> ()
    %run_scoped3A_3 = arith.constant 1 : i32
    "tpu.region"() ({
      %run_scoped3A_215 = tpu.sem_alloc : memref<!tpu.dma_semaphore, #tpu.memory_space<semaphore_mem>>
      %dma_start3A = arith.constant 0 : i32
      %dma_start3A_216 = tpu.memref_slice %arg12[%run_scoped3A_3, %dma_start3A] : memref<2x128xf32, #tpu.memory_space<vmem>> -> memref<1x128xf32, #tpu.memory_space<vmem>>
      %dma_start3A_217 = tpu.memref_squeeze %dma_start3A_216 : memref<1x128xf32, #tpu.memory_space<vmem>> -> memref<128xf32, #tpu.memory_space<vmem>>
      %dma_start3A_218 = arith.constant 0 : i32
      %dma_start3A_219 = tpu.memref_slice %arg12[%run_scoped3A_3, %dma_start3A_218] : memref<2x128xf32, #tpu.memory_space<vmem>> -> memref<1x128xf32, #tpu.memory_space<vmem>>
      %dma_start3A_220 = tpu.memref_squeeze %dma_start3A_219 : memref<1x128xf32, #tpu.memory_space<vmem>> -> memref<128xf32, #tpu.memory_space<vmem>>
      tpu.enqueue_dma source(%arg8 : memref<128xf32, #tpu.memory_space<hbm>>) target(%dma_start3A_220 : memref<128xf32, #tpu.memory_space<vmem>>) target_semaphore(%run_scoped3A_215 : memref<!tpu.dma_semaphore, #tpu.memory_space<semaphore_mem>>)
      %dma_wait3A = arith.constant 0 : i32
      %dma_wait3A_221 = tpu.memref_slice %arg12[%run_scoped3A_3, %dma_wait3A] : memref<2x128xf32, #tpu.memory_space<vmem>> -> memref<1x128xf32, #tpu.memory_space<vmem>>
      %dma_wait3A_222 = tpu.memref_squeeze %dma_wait3A_221 : memref<1x128xf32, #tpu.memory_space<vmem>> -> memref<128xf32, #tpu.memory_space<vmem>>
      %dma_wait3A_223 = arith.constant 0 : i32
      %dma_wait3A_224 = tpu.memref_slice %arg12[%run_scoped3A_3, %dma_wait3A_223] : memref<2x128xf32, #tpu.memory_space<vmem>> -> memref<1x128xf32, #tpu.memory_space<vmem>>
      %dma_wait3A_225 = tpu.memref_squeeze %dma_wait3A_224 : memref<1x128xf32, #tpu.memory_space<vmem>> -> memref<128xf32, #tpu.memory_space<vmem>>
      tpu.wait_dma2 semaphore(%run_scoped3A_215 : memref<!tpu.dma_semaphore, #tpu.memory_space<semaphore_mem>>) src(%arg8 : memref<128xf32, #tpu.memory_space<hbm>>) dst(%dma_wait3A_225 : memref<128xf32, #tpu.memory_space<vmem>>)
      tpu.yield
    }) : () -> ()
    %get3A = arith.constant 0 : i32
    %get3A_4 = arith.index_cast %get3A : i32 to index
    %get3A_5 = arith.constant 0 : index
    %get3A_6 = tpu.vector_load %arg11[%get3A_4, %get3A_5] {strides = array<i32>} : memref<3x128xf32, #tpu.memory_space<vmem>>, vector<16xf32>,
    %get3A_7 = arith.constant 0 : i32
    %get3A_8 = arith.index_cast %get3A_7 : i32 to index
    %get3A_9 = arith.constant 16 : index
    %get3A_10 = tpu.vector_load %arg11[%get3A_8, %get3A_9] {strides = array<i32>} : memref<3x128xf32, #tpu.memory_space<vmem>>, vector<16xf32>,
    %get3A_11 = arith.constant 0 : i32
    %get3A_12 = arith.index_cast %get3A_11 : i32 to index
    %get3A_13 = arith.constant 32 : index
    %get3A_14 = tpu.vector_load %arg11[%get3A_12, %get3A_13] {strides = array<i32>} : memref<3x128xf32, #tpu.memory_space<vmem>>, vector<16xf32>,
    %get3A_15 = arith.constant 0 : i32
    %get3A_16 = arith.index_cast %get3A_15 : i32 to index
    %get3A_17 = arith.constant 48 : index
    %get3A_18 = tpu.vector_load %arg11[%get3A_16, %get3A_17] {strides = array<i32>} : memref<3x128xf32, #tpu.memory_space<vmem>>, vector<16xf32>,
    %get3A_19 = arith.constant 0 : i32
    %get3A_20 = arith.index_cast %get3A_19 : i32 to index
    %get3A_21 = arith.constant 64 : index
    %get3A_22 = tpu.vector_load %arg11[%get3A_20, %get3A_21] {strides = array<i32>} : memref<3x128xf32, #tpu.memory_space<vmem>>, vector<16xf32>,
    %get3A_23 = arith.constant 0 : i32
    %get3A_24 = arith.index_cast %get3A_23 : i32 to index
    %get3A_25 = arith.constant 80 : index
    %get3A_26 = tpu.vector_load %arg11[%get3A_24, %get3A_25] {strides = array<i32>} : memref<3x128xf32, #tpu.memory_space<vmem>>, vector<16xf32>,
    %get3A_27 = arith.constant 0 : i32
    %get3A_28 = arith.index_cast %get3A_27 : i32 to index
    %get3A_29 = arith.constant 96 : index
    %get3A_30 = tpu.vector_load %arg11[%get3A_28, %get3A_29] {strides = array<i32>} : memref<3x128xf32, #tpu.memory_space<vmem>>, vector<16xf32>,
    %get3A_31 = arith.constant 0 : i32
    %get3A_32 = arith.index_cast %get3A_31 : i32 to index
    %get3A_33 = arith.constant 112 : index
    %get3A_34 = tpu.vector_load %arg11[%get3A_32, %get3A_33] {strides = array<i32>} : memref<3x128xf32, #tpu.memory_space<vmem>>, vector<16xf32>,
    %get3A_35 = arith.constant 1 : i32
    %get3A_36 = arith.index_cast %get3A_35 : i32 to index
    %get3A_37 = arith.constant 0 : index
    %get3A_38 = tpu.vector_load %arg11[%get3A_36, %get3A_37] {strides = array<i32>} : memref<3x128xf32, #tpu.memory_space<vmem>>, vector<16xf32>,
    %sub3A = arith.subf %get3A_38, %get3A_6 : vector<16xf32>
    %get3A_39 = arith.constant 1 : i32
    %get3A_40 = arith.index_cast %get3A_39 : i32 to index
    %get3A_41 = arith.constant 16 : index
    %get3A_42 = tpu.vector_load %arg11[%get3A_40, %get3A_41] {strides = array<i32>} : memref<3x128xf32, #tpu.memory_space<vmem>>, vector<16xf32>,
    %sub3A_43 = arith.subf %get3A_42, %get3A_10 : vector<16xf32>
    %get3A_44 = arith.constant 1 : i32
    %get3A_45 = arith.index_cast %get3A_44 : i32 to index
    %get3A_46 = arith.constant 32 : index
    %get3A_47 = tpu.vector_load %arg11[%get3A_45, %get3A_46] {strides = array<i32>} : memref<3x128xf32, #tpu.memory_space<vmem>>, vector<16xf32>,
    %sub3A_48 = arith.subf %get3A_47, %get3A_14 : vector<16xf32>
    %get3A_49 = arith.constant 1 : i32
    %get3A_50 = arith.index_cast %get3A_49 : i32 to index
    %get3A_51 = arith.constant 48 : index
    %get3A_52 = tpu.vector_load %arg11[%get3A_50, %get3A_51] {strides = array<i32>} : memref<3x128xf32, #tpu.memory_space<vmem>>, vector<16xf32>,
    %sub3A_53 = arith.subf %get3A_52, %get3A_18 : vector<16xf32>
    %get3A_54 = arith.constant 1 : i32
    %get3A_55 = arith.index_cast %get3A_54 : i32 to index
    %get3A_56 = arith.constant 64 : index
    %get3A_57 = tpu.vector_load %arg11[%get3A_55, %get3A_56] {strides = array<i32>} : memref<3x128xf32, #tpu.memory_space<vmem>>, vector<16xf32>,
    %sub3A_58 = arith.subf %get3A_57, %get3A_22 : vector<16xf32>
    %get3A_59 = arith.constant 1 : i32
    %get3A_60 = arith.index_cast %get3A_59 : i32 to index
    %get3A_61 = arith.constant 80 : index
    %get3A_62 = tpu.vector_load %arg11[%get3A_60, %get3A_61] {strides = array<i32>} : memref<3x128xf32, #tpu.memory_space<vmem>>, vector<16xf32>,
    %sub3A_63 = arith.subf %get3A_62, %get3A_26 : vector<16xf32>
    %get3A_64 = arith.constant 1 : i32
    %get3A_65 = arith.index_cast %get3A_64 : i32 to index
    %get3A_66 = arith.constant 96 : index
    %get3A_67 = tpu.vector_load %arg11[%get3A_65, %get3A_66] {strides = array<i32>} : memref<3x128xf32, #tpu.memory_space<vmem>>, vector<16xf32>,
    %sub3A_68 = arith.subf %get3A_67, %get3A_30 : vector<16xf32>
    %get3A_69 = arith.constant 1 : i32
    %get3A_70 = arith.index_cast %get3A_69 : i32 to index
    %get3A_71 = arith.constant 112 : index
    %get3A_72 = tpu.vector_load %arg11[%get3A_70, %get3A_71] {strides = array<i32>} : memref<3x128xf32, #tpu.memory_space<vmem>>, vector<16xf32>,
    %sub3A_73 = arith.subf %get3A_72, %get3A_34 : vector<16xf32>
    %get3A_74 = arith.constant 2 : i32
    %get3A_75 = arith.index_cast %get3A_74 : i32 to index
    %get3A_76 = arith.constant 0 : index
    %get3A_77 = tpu.vector_load %arg11[%get3A_75, %get3A_76] {strides = array<i32>} : memref<3x128xf32, #tpu.memory_space<vmem>>, vector<16xf32>,
    %get3A_78 = arith.constant 1 : i32
    %get3A_79 = arith.index_cast %get3A_78 : i32 to index
    %get3A_80 = arith.constant 0 : index
    %get3A_81 = tpu.vector_load %arg11[%get3A_79, %get3A_80] {strides = array<i32>} : memref<3x128xf32, #tpu.memory_space<vmem>>, vector<16xf32>,
    %sub3A_82 = arith.subf %get3A_77, %get3A_81 : vector<16xf32>
    %get3A_83 = arith.constant 2 : i32
    %get3A_84 = arith.index_cast %get3A_83 : i32 to index
    %get3A_85 = arith.constant 16 : index
    %get3A_86 = tpu.vector_load %arg11[%get3A_84, %get3A_85] {strides = array<i32>} : memref<3x128xf32, #tpu.memory_space<vmem>>, vector<16xf32>,
    %get3A_87 = arith.constant 1 : i32
    %get3A_88 = arith.index_cast %get3A_87 : i32 to index
    %get3A_89 = arith.constant 16 : index
    %get3A_90 = tpu.vector_load %arg11[%get3A_88, %get3A_89] {strides = array<i32>} : memref<3x128xf32, #tpu.memory_space<vmem>>, vector<16xf32>,
    %sub3A_91 = arith.subf %get3A_86, %get3A_90 : vector<16xf32>
    %get3A_92 = arith.constant 2 : i32
    %get3A_93 = arith.index_cast %get3A_92 : i32 to index
    %get3A_94 = arith.constant 32 : index
    %get3A_95 = tpu.vector_load %arg11[%get3A_93, %get3A_94] {strides = array<i32>} : memref<3x128xf32, #tpu.memory_space<vmem>>, vector<16xf32>,
    %get3A_96 = arith.constant 1 : i32
    %get3A_97 = arith.index_cast %get3A_96 : i32 to index
    %get3A_98 = arith.constant 32 : index
    %get3A_99 = tpu.vector_load %arg11[%get3A_97, %get3A_98] {strides = array<i32>} : memref<3x128xf32, #tpu.memory_space<vmem>>, vector<16xf32>,
    %sub3A_100 = arith.subf %get3A_95, %get3A_99 : vector<16xf32>
    %get3A_101 = arith.constant 2 : i32
    %get3A_102 = arith.index_cast %get3A_101 : i32 to index
    %get3A_103 = arith.constant 48 : index
    %get3A_104 = tpu.vector_load %arg11[%get3A_102, %get3A_103] {strides = array<i32>} : memref<3x128xf32, #tpu.memory_space<vmem>>, vector<16xf32>,
    %get3A_105 = arith.constant 1 : i32
    %get3A_106 = arith.index_cast %get3A_105 : i32 to index
    %get3A_107 = arith.constant 48 : index
    %get3A_108 = tpu.vector_load %arg11[%get3A_106, %get3A_107] {strides = array<i32>} : memref<3x128xf32, #tpu.memory_space<vmem>>, vector<16xf32>,
    %sub3A_109 = arith.subf %get3A_104, %get3A_108 : vector<16xf32>
    %get3A_110 = arith.constant 2 : i32
    %get3A_111 = arith.index_cast %get3A_110 : i32 to index
    %get3A_112 = arith.constant 64 : index
    %get3A_113 = tpu.vector_load %arg11[%get3A_111, %get3A_112] {strides = array<i32>} : memref<3x128xf32, #tpu.memory_space<vmem>>, vector<16xf32>,
    %get3A_114 = arith.constant 1 : i32
    %get3A_115 = arith.index_cast %get3A_114 : i32 to index
    %get3A_116 = arith.constant 64 : index
    %get3A_117 = tpu.vector_load %arg11[%get3A_115, %get3A_116] {strides = array<i32>} : memref<3x128xf32, #tpu.memory_space<vmem>>, vector<16xf32>,
    %sub3A_118 = arith.subf %get3A_113, %get3A_117 : vector<16xf32>
    %get3A_119 = arith.constant 2 : i32
    %get3A_120 = arith.index_cast %get3A_119 : i32 to index
    %get3A_121 = arith.constant 80 : index
    %get3A_122 = tpu.vector_load %arg11[%get3A_120, %get3A_121] {strides = array<i32>} : memref<3x128xf32, #tpu.memory_space<vmem>>, vector<16xf32>,
    %get3A_123 = arith.constant 1 : i32
    %get3A_124 = arith.index_cast %get3A_123 : i32 to index
    %get3A_125 = arith.constant 80 : index
    %get3A_126 = tpu.vector_load %arg11[%get3A_124, %get3A_125] {strides = array<i32>} : memref<3x128xf32, #tpu.memory_space<vmem>>, vector<16xf32>,
    %sub3A_127 = arith.subf %get3A_122, %get3A_126 : vector<16xf32>
    %get3A_128 = arith.constant 2 : i32
    %get3A_129 = arith.index_cast %get3A_128 : i32 to index
    %get3A_130 = arith.constant 96 : index
    %get3A_131 = tpu.vector_load %arg11[%get3A_129, %get3A_130] {strides = array<i32>} : memref<3x128xf32, #tpu.memory_space<vmem>>, vector<16xf32>,
    %get3A_132 = arith.constant 1 : i32
    %get3A_133 = arith.index_cast %get3A_132 : i32 to index
    %get3A_134 = arith.constant 96 : index
    %get3A_135 = tpu.vector_load %arg11[%get3A_133, %get3A_134] {strides = array<i32>} : memref<3x128xf32, #tpu.memory_space<vmem>>, vector<16xf32>,
    %sub3A_136 = arith.subf %get3A_131, %get3A_135 : vector<16xf32>
    %get3A_137 = arith.constant 2 : i32
    %get3A_138 = arith.index_cast %get3A_137 : i32 to index
    %get3A_139 = arith.constant 112 : index
    %get3A_140 = tpu.vector_load %arg11[%get3A_138, %get3A_139] {strides = array<i32>} : memref<3x128xf32, #tpu.memory_space<vmem>>, vector<16xf32>,
    %get3A_141 = arith.constant 1 : i32
    %get3A_142 = arith.index_cast %get3A_141 : i32 to index
    %get3A_143 = arith.constant 112 : index
    %get3A_144 = tpu.vector_load %arg11[%get3A_142, %get3A_143] {strides = array<i32>} : memref<3x128xf32, #tpu.memory_space<vmem>>, vector<16xf32>,
    %sub3A_145 = arith.subf %get3A_140, %get3A_144 : vector<16xf32>
    %get3A_146 = arith.constant 0 : i32
    %get3A_147 = arith.index_cast %get3A_146 : i32 to index
    %get3A_148 = arith.constant 0 : index
    %get3A_149 = tpu.vector_load %arg12[%get3A_147, %get3A_148] {strides = array<i32>} : memref<2x128xf32, #tpu.memory_space<vmem>>, vector<16xf32>,
    %get3A_150 = arith.constant 0 : i32
    %get3A_151 = arith.index_cast %get3A_150 : i32 to index
    %get3A_152 = arith.constant 16 : index
    %get3A_153 = tpu.vector_load %arg12[%get3A_151, %get3A_152] {strides = array<i32>} : memref<2x128xf32, #tpu.memory_space<vmem>>, vector<16xf32>,
    %get3A_154 = arith.constant 0 : i32
    %get3A_155 = arith.index_cast %get3A_154 : i32 to index
    %get3A_156 = arith.constant 32 : index
    %get3A_157 = tpu.vector_load %arg12[%get3A_155, %get3A_156] {strides = array<i32>} : memref<2x128xf32, #tpu.memory_space<vmem>>, vector<16xf32>,
    %get3A_158 = arith.constant 0 : i32
    %get3A_159 = arith.index_cast %get3A_158 : i32 to index
    %get3A_160 = arith.constant 48 : index
    %get3A_161 = tpu.vector_load %arg12[%get3A_159, %get3A_160] {strides = array<i32>} : memref<2x128xf32, #tpu.memory_space<vmem>>, vector<16xf32>,
    %get3A_162 = arith.constant 0 : i32
    %get3A_163 = arith.index_cast %get3A_162 : i32 to index
    %get3A_164 = arith.constant 64 : index
    %get3A_165 = tpu.vector_load %arg12[%get3A_163, %get3A_164] {strides = array<i32>} : memref<2x128xf32, #tpu.memory_space<vmem>>, vector<16xf32>,
    %get3A_166 = arith.constant 0 : i32
    %get3A_167 = arith.index_cast %get3A_166 : i32 to index
    %get3A_168 = arith.constant 80 : index
    %get3A_169 = tpu.vector_load %arg12[%get3A_167, %get3A_168] {strides = array<i32>} : memref<2x128xf32, #tpu.memory_space<vmem>>, vector<16xf32>,
    %get3A_170 = arith.constant 0 : i32
    %get3A_171 = arith.index_cast %get3A_170 : i32 to index
    %get3A_172 = arith.constant 96 : index
    %get3A_173 = tpu.vector_load %arg12[%get3A_171, %get3A_172] {strides = array<i32>} : memref<2x128xf32, #tpu.memory_space<vmem>>, vector<16xf32>,
    %get3A_174 = arith.constant 0 : i32
    %get3A_175 = arith.index_cast %get3A_174 : i32 to index
    %get3A_176 = arith.constant 112 : index
    %get3A_177 = tpu.vector_load %arg12[%get3A_175, %get3A_176] {strides = array<i32>} : memref<2x128xf32, #tpu.memory_space<vmem>>, vector<16xf32>,
    %get3A_178 = arith.constant 1 : i32
    %get3A_179 = arith.index_cast %get3A_178 : i32 to index
    %get3A_180 = arith.constant 0 : index
    %get3A_181 = tpu.vector_load %arg12[%get3A_179, %get3A_180] {strides = array<i32>} : memref<2x128xf32, #tpu.memory_space<vmem>>, vector<16xf32>,
    %get3A_182 = arith.constant 1 : i32
    %get3A_183 = arith.index_cast %get3A_182 : i32 to index
    %get3A_184 = arith.constant 16 : index
    %get3A_185 = tpu.vector_load %arg12[%get3A_183, %get3A_184] {strides = array<i32>} : memref<2x128xf32, #tpu.memory_space<vmem>>, vector<16xf32>,
    %get3A_186 = arith.constant 1 : i32
    %get3A_187 = arith.index_cast %get3A_186 : i32 to index
    %get3A_188 = arith.constant 32 : index
    %get3A_189 = tpu.vector_load %arg12[%get3A_187, %get3A_188] {strides = array<i32>} : memref<2x128xf32, #tpu.memory_space<vmem>>, vector<16xf32>,
    %get3A_190 = arith.constant 1 : i32
    %get3A_191 = arith.index_cast %get3A_190 : i32 to index
    %get3A_192 = arith.constant 48 : index
    %get3A_193 = tpu.vector_load %arg12[%get3A_191, %get3A_192] {strides = array<i32>} : memref<2x128xf32, #tpu.memory_space<vmem>>, vector<16xf32>,
    %get3A_194 = arith.constant 1 : i32
    %get3A_195 = arith.index_cast %get3A_194 : i32 to index
    %get3A_196 = arith.constant 64 : index
    %get3A_197 = tpu.vector_load %arg12[%get3A_195, %get3A_196] {strides = array<i32>} : memref<2x128xf32, #tpu.memory_space<vmem>>, vector<16xf32>,
    %get3A_198 = arith.constant 1 : i32
    %get3A_199 = arith.index_cast %get3A_198 : i32 to index
    %get3A_200 = arith.constant 80 : index
    %get3A_201 = tpu.vector_load %arg12[%get3A_199, %get3A_200] {strides = array<i32>} : memref<2x128xf32, #tpu.memory_space<vmem>>, vector<16xf32>,
    %get3A_202 = arith.constant 1 : i32
    %get3A_203 = arith.index_cast %get3A_202 : i32 to index
    %get3A_204 = arith.constant 96 : index
    %get3A_205 = tpu.vector_load %arg12[%get3A_203, %get3A_204] {strides = array<i32>} : memref<2x128xf32, #tpu.memory_space<vmem>>, vector<16xf32>,
    %get3A_206 = arith.constant 1 : i32
    %get3A_207 = arith.index_cast %get3A_206 : i32 to index
    %get3A_208 = arith.constant 112 : index
    %get3A_209 = tpu.vector_load %arg12[%get3A_207, %get3A_208] {strides = array<i32>} : memref<2x128xf32, #tpu.memory_space<vmem>>, vector<16xf32>,
    %scan3A = arith.constant 0 : i32
    %scan3A_210 = arith.constant 0 : i32
    %scan3A_211 = arith.constant 128 : i32
    %scan3A_212 = arith.addi %scan3A_210, %scan3A_211 : i32
    %scan3A_213 = arith.constant 1 : i32
    scf.for %scan3A_215 = %scan3A_210 to %scan3A_212 step %scan3A_213  : i32 {
      %mul3A_216 = arith.constant 128 : i32
      %mul3A_217 = arith.muli %scan3A_215, %mul3A_216 : i32
      %add3A_218 = arith.addi %mul3A_2, %mul3A_217 : i32
      "tpu.region"() ({
        %run_scoped3A_232 = tpu.sem_alloc : memref<!tpu.dma_semaphore, #tpu.memory_space<semaphore_mem>>
        %dma_start3A_233 = tpu.memref_slice %arg2[%add3A_218] : memref<524288xi32, #tpu.memory_space<hbm>> -> memref<128xi32, #tpu.memory_space<hbm>>
        %dma_start3A_234 = tpu.memref_slice %arg2[%add3A_218] : memref<524288xi32, #tpu.memory_space<hbm>> -> memref<128xi32, #tpu.memory_space<hbm>>
        tpu.enqueue_dma source(%dma_start3A_234 : memref<128xi32, #tpu.memory_space<hbm>>) target(%arg13 : memref<128xi32, #tpu.memory_space<vmem>>) target_semaphore(%run_scoped3A_232 : memref<!tpu.dma_semaphore, #tpu.memory_space<semaphore_mem>>)
        %dma_wait3A_235 = tpu.memref_slice %arg2[%add3A_218] : memref<524288xi32, #tpu.memory_space<hbm>> -> memref<128xi32, #tpu.memory_space<hbm>>
        %dma_wait3A_236 = tpu.memref_slice %arg2[%add3A_218] : memref<524288xi32, #tpu.memory_space<hbm>> -> memref<128xi32, #tpu.memory_space<hbm>>
        tpu.wait_dma2 semaphore(%run_scoped3A_232 : memref<!tpu.dma_semaphore, #tpu.memory_space<semaphore_mem>>) src(%dma_wait3A_236 : memref<128xi32, #tpu.memory_space<hbm>>) dst(%arg13 : memref<128xi32, #tpu.memory_space<vmem>>)
        tpu.yield
      }) : () -> ()
      "tpu.region"() ({
        %run_scoped3A_232 = tpu.sem_alloc : memref<!tpu.dma_semaphore, #tpu.memory_space<semaphore_mem>>
        %dma_start3A_233 = arith.constant 0 : i32
        %dma_start3A_234 = tpu.memref_slice %arg14[%dma_start3A_233] : memref<144xi32, #tpu.memory_space<vmem>> -> memref<128xi32, #tpu.memory_space<vmem>>
        %dma_start3A_235 = tpu.memref_slice %arg3[%add3A_218] : memref<524288xi32, #tpu.memory_space<hbm>> -> memref<128xi32, #tpu.memory_space<hbm>>
        %dma_start3A_236 = arith.constant 0 : i32
        %dma_start3A_237 = tpu.memref_slice %arg14[%dma_start3A_236] : memref<144xi32, #tpu.memory_space<vmem>> -> memref<128xi32, #tpu.memory_space<vmem>>
        %dma_start3A_238 = tpu.memref_slice %arg3[%add3A_218] : memref<524288xi32, #tpu.memory_space<hbm>> -> memref<128xi32, #tpu.memory_space<hbm>>
        tpu.enqueue_dma source(%dma_start3A_238 : memref<128xi32, #tpu.memory_space<hbm>>) target(%dma_start3A_237 : memref<128xi32, #tpu.memory_space<vmem>>) target_semaphore(%run_scoped3A_232 : memref<!tpu.dma_semaphore, #tpu.memory_space<semaphore_mem>>)
        %dma_wait3A_239 = arith.constant 0 : i32
        %dma_wait3A_240 = tpu.memref_slice %arg14[%dma_wait3A_239] : memref<144xi32, #tpu.memory_space<vmem>> -> memref<128xi32, #tpu.memory_space<vmem>>
        %dma_wait3A_241 = tpu.memref_slice %arg3[%add3A_218] : memref<524288xi32, #tpu.memory_space<hbm>> -> memref<128xi32, #tpu.memory_space<hbm>>
        %dma_wait3A_242 = arith.constant 0 : i32
        %dma_wait3A_243 = tpu.memref_slice %arg14[%dma_wait3A_242] : memref<144xi32, #tpu.memory_space<vmem>> -> memref<128xi32, #tpu.memory_space<vmem>>
        %dma_wait3A_244 = tpu.memref_slice %arg3[%add3A_218] : memref<524288xi32, #tpu.memory_space<hbm>> -> memref<128xi32, #tpu.memory_space<hbm>>
        tpu.wait_dma2 semaphore(%run_scoped3A_232 : memref<!tpu.dma_semaphore, #tpu.memory_space<semaphore_mem>>) src(%dma_wait3A_244 : memref<128xi32, #tpu.memory_space<hbm>>) dst(%dma_wait3A_243 : memref<128xi32, #tpu.memory_space<vmem>>)
        tpu.yield
      }) : () -> ()
      %dma_start3A = arith.constant 0 : i32
      %dma_start3A_219 = arith.constant 0 : i32
      %dma_start3A_220 = tpu.memref_slice %arg4[%dma_start3A, %dma_start3A_219] : memref<100000x128xf32, #tpu.memory_space<hbm>> -> memref<100000x128xf32, #tpu.memory_space<hbm>>
      tpu.enqueue_indirect_dma source(%dma_start3A_220 : memref<100000x128xf32, #tpu.memory_space<hbm>>) target(%arg15 : memref<128x128xf32, #tpu.memory_space<vmem>>) offsets(%arg13 : memref<128xi32, #tpu.memory_space<vmem>>) semaphore(%arg16 : memref<!tpu.dma_semaphore, #tpu.memory_space<semaphore_mem>>)
      %dma_wait3A = arith.constant 0 : i32
      %dma_wait3A_221 = arith.constant 0 : i32
      %dma_wait3A_222 = tpu.memref_slice %arg4[%dma_wait3A, %dma_wait3A_221] : memref<100000x128xf32, #tpu.memory_space<hbm>> -> memref<100000x128xf32, #tpu.memory_space<hbm>>
      tpu.wait_indirect_dma semaphore(%arg16 : memref<!tpu.dma_semaphore, #tpu.memory_space<semaphore_mem>>) src(%dma_wait3A_222 : memref<100000x128xf32, #tpu.memory_space<hbm>>) dst(%arg15 : memref<128x128xf32, #tpu.memory_space<vmem>>)
      %rem3A = arith.constant 4 : i32
      %rem3A_223 = arith.remsi %scan3A_215, %rem3A : i32
      %mul3A_224 = arith.constant 128 : i32
      %mul3A_225 = arith.muli %rem3A_223, %mul3A_224 : i32
      %scan3A_226 = arith.constant 0 : i32
      %scan3A_227 = arith.constant 0 : i32
      %scan3A_228 = arith.constant 128 : i32
      %scan3A_229 = arith.addi %scan3A_227, %scan3A_228 : i32
      %scan3A_230 = arith.constant 1 : i32
      scf.for %scan3A_232 = %scan3A_227 to %scan3A_229 step %scan3A_230  : i32 {
        %get3A_233 = arith.index_cast %scan3A_232 : i32 to index
        %get3A_234 = tpu.vector_load %arg14[%get3A_233] {strides = array<i32>} : memref<144xi32, #tpu.memory_space<vmem>>, vector<16xi32>,
        %slice3A = vector.extract_strided_slice %get3A_234 {offsets = [0], sizes = [1], strides = [1]} : vector<16xi32> to vector<1xi32>
        %squeeze3A = vector.extract %slice3A[0] : i32 from vector<1xi32>
        %ge3A = arith.constant 1 : i32
        %ge3A_235 = arith.cmpi sge, %squeeze3A, %ge3A : i32
        %convert_element_type3A = arith.extui %ge3A_235 : i1 to i32
        %convert_element_type3A_236 = arith.sitofp %convert_element_type3A : i32 to f32
        %ge3A_237 = arith.constant 2 : i32
        %ge3A_238 = arith.cmpi sge, %squeeze3A, %ge3A_237 : i32
        %convert_element_type3A_239 = arith.extui %ge3A_238 : i1 to i32
        %convert_element_type3A_240 = arith.sitofp %convert_element_type3A_239 : i32 to f32
        %get3A_241 = arith.index_cast %scan3A_232 : i32 to index
        %get3A_242 = arith.constant 0 : index
        %get3A_243 = tpu.vector_load %arg15[%get3A_241, %get3A_242] {strides = array<i32>} : memref<128x128xf32, #tpu.memory_space<vmem>>, vector<16xf32>,
        %add3A_244 = arith.addi %mul3A_225, %scan3A_232 : i32
        %get3A_245 = arith.index_cast %add3A_244 : i32 to index
        %get3A_246 = arith.constant 0 : index
        %get3A_247 = tpu.vector_load %arg10[%get3A_245, %get3A_246] {strides = array<i32>} : memref<512x128xf32, #tpu.memory_space<vmem>>, vector<16xf32>,
        %mul3A_248 = vector.broadcast %convert_element_type3A_236 : f32 to vector<16xf32>
        %mul3A_249 = arith.mulf %mul3A_248, %sub3A : vector<16xf32>
        %add3A_250 = arith.addf %get3A_6, %mul3A_249 : vector<16xf32>
        %mul3A_251 = vector.broadcast %convert_element_type3A_240 : f32 to vector<16xf32>
        %mul3A_252 = arith.mulf %mul3A_251, %sub3A_82 : vector<16xf32>
        %add3A_253 = arith.addf %add3A_250, %mul3A_252 : vector<16xf32>
        %add3A_254 = arith.addf %get3A_243, %get3A_247 : vector<16xf32>
        %add3A_255 = arith.addf %add3A_254, %add3A_253 : vector<16xf32>
        %mul3A_256 = arith.mulf %add3A_255, %add3A_255 : vector<16xf32>
        %get3A_257 = arith.index_cast %scan3A_232 : i32 to index
        %get3A_258 = arith.constant 16 : index
        %get3A_259 = tpu.vector_load %arg15[%get3A_257, %get3A_258] {strides = array<i32>} : memref<128x128xf32, #tpu.memory_space<vmem>>, vector<16xf32>,
        %add3A_260 = arith.addi %mul3A_225, %scan3A_232 : i32
        %get3A_261 = arith.index_cast %add3A_260 : i32 to index
        %get3A_262 = arith.constant 16 : index
        %get3A_263 = tpu.vector_load %arg10[%get3A_261, %get3A_262] {strides = array<i32>} : memref<512x128xf32, #tpu.memory_space<vmem>>, vector<16xf32>,
        %mul3A_264 = vector.broadcast %convert_element_type3A_236 : f32 to vector<16xf32>
        %mul3A_265 = arith.mulf %mul3A_264, %sub3A_43 : vector<16xf32>
        %add3A_266 = arith.addf %get3A_10, %mul3A_265 : vector<16xf32>
        %mul3A_267 = vector.broadcast %convert_element_type3A_240 : f32 to vector<16xf32>
        %mul3A_268 = arith.mulf %mul3A_267, %sub3A_91 : vector<16xf32>
        %add3A_269 = arith.addf %add3A_266, %mul3A_268 : vector<16xf32>
        %add3A_270 = arith.addf %get3A_259, %get3A_263 : vector<16xf32>
        %add3A_271 = arith.addf %add3A_270, %add3A_269 : vector<16xf32>
        %add3A_272 = arith.addf %add3A_255, %add3A_271 : vector<16xf32>
        %mul3A_273 = arith.mulf %add3A_271, %add3A_271 : vector<16xf32>
        %add3A_274 = arith.addf %mul3A_256, %mul3A_273 : vector<16xf32>
        %get3A_275 = arith.index_cast %scan3A_232 : i32 to index
        %get3A_276 = arith.constant 32 : index
        %get3A_277 = tpu.vector_load %arg15[%get3A_275, %get3A_276] {strides = array<i32>} : memref<128x128xf32, #tpu.memory_space<vmem>>, vector<16xf32>,
        %add3A_278 = arith.addi %mul3A_225, %scan3A_232 : i32
        %get3A_279 = arith.index_cast %add3A_278 : i32 to index
        %get3A_280 = arith.constant 32 : index
        %get3A_281 = tpu.vector_load %arg10[%get3A_279, %get3A_280] {strides = array<i32>} : memref<512x128xf32, #tpu.memory_space<vmem>>, vector<16xf32>,
        %mul3A_282 = vector.broadcast %convert_element_type3A_236 : f32 to vector<16xf32>
        %mul3A_283 = arith.mulf %mul3A_282, %sub3A_48 : vector<16xf32>
        %add3A_284 = arith.addf %get3A_14, %mul3A_283 : vector<16xf32>
        %mul3A_285 = vector.broadcast %convert_element_type3A_240 : f32 to vector<16xf32>
        %mul3A_286 = arith.mulf %mul3A_285, %sub3A_100 : vector<16xf32>
        %add3A_287 = arith.addf %add3A_284, %mul3A_286 : vector<16xf32>
        %add3A_288 = arith.addf %get3A_277, %get3A_281 : vector<16xf32>
        %add3A_289 = arith.addf %add3A_288, %add3A_287 : vector<16xf32>
        %add3A_290 = arith.addf %add3A_272, %add3A_289 : vector<16xf32>
        %mul3A_291 = arith.mulf %add3A_289, %add3A_289 : vector<16xf32>
        %add3A_292 = arith.addf %add3A_274, %mul3A_291 : vector<16xf32>
        %get3A_293 = arith.index_cast %scan3A_232 : i32 to index
        %get3A_294 = arith.constant 48 : index
        %get3A_295 = tpu.vector_load %arg15[%get3A_293, %get3A_294] {strides = array<i32>} : memref<128x128xf32, #tpu.memory_space<vmem>>, vector<16xf32>,
        %add3A_296 = arith.addi %mul3A_225, %scan3A_232 : i32
        %get3A_297 = arith.index_cast %add3A_296 : i32 to index
        %get3A_298 = arith.constant 48 : index
        %get3A_299 = tpu.vector_load %arg10[%get3A_297, %get3A_298] {strides = array<i32>} : memref<512x128xf32, #tpu.memory_space<vmem>>, vector<16xf32>,
        %mul3A_300 = vector.broadcast %convert_element_type3A_236 : f32 to vector<16xf32>
        %mul3A_301 = arith.mulf %mul3A_300, %sub3A_53 : vector<16xf32>
        %add3A_302 = arith.addf %get3A_18, %mul3A_301 : vector<16xf32>
        %mul3A_303 = vector.broadcast %convert_element_type3A_240 : f32 to vector<16xf32>
        %mul3A_304 = arith.mulf %mul3A_303, %sub3A_109 : vector<16xf32>
        %add3A_305 = arith.addf %add3A_302, %mul3A_304 : vector<16xf32>
        %add3A_306 = arith.addf %get3A_295, %get3A_299 : vector<16xf32>
        %add3A_307 = arith.addf %add3A_306, %add3A_305 : vector<16xf32>
        %add3A_308 = arith.addf %add3A_290, %add3A_307 : vector<16xf32>
        %mul3A_309 = arith.mulf %add3A_307, %add3A_307 : vector<16xf32>
        %add3A_310 = arith.addf %add3A_292, %mul3A_309 : vector<16xf32>
        %get3A_311 = arith.index_cast %scan3A_232 : i32 to index
        %get3A_312 = arith.constant 64 : index
        %get3A_313 = tpu.vector_load %arg15[%get3A_311, %get3A_312] {strides = array<i32>} : memref<128x128xf32, #tpu.memory_space<vmem>>, vector<16xf32>,
        %add3A_314 = arith.addi %mul3A_225, %scan3A_232 : i32
        %get3A_315 = arith.index_cast %add3A_314 : i32 to index
        %get3A_316 = arith.constant 64 : index
        %get3A_317 = tpu.vector_load %arg10[%get3A_315, %get3A_316] {strides = array<i32>} : memref<512x128xf32, #tpu.memory_space<vmem>>, vector<16xf32>,
        %mul3A_318 = vector.broadcast %convert_element_type3A_236 : f32 to vector<16xf32>
        %mul3A_319 = arith.mulf %mul3A_318, %sub3A_58 : vector<16xf32>
        %add3A_320 = arith.addf %get3A_22, %mul3A_319 : vector<16xf32>
        %mul3A_321 = vector.broadcast %convert_element_type3A_240 : f32 to vector<16xf32>
        %mul3A_322 = arith.mulf %mul3A_321, %sub3A_118 : vector<16xf32>
        %add3A_323 = arith.addf %add3A_320, %mul3A_322 : vector<16xf32>
        %add3A_324 = arith.addf %get3A_313, %get3A_317 : vector<16xf32>
        %add3A_325 = arith.addf %add3A_324, %add3A_323 : vector<16xf32>
        %add3A_326 = arith.addf %add3A_308, %add3A_325 : vector<16xf32>
        %mul3A_327 = arith.mulf %add3A_325, %add3A_325 : vector<16xf32>
        %add3A_328 = arith.addf %add3A_310, %mul3A_327 : vector<16xf32>
        %get3A_329 = arith.index_cast %scan3A_232 : i32 to index
        %get3A_330 = arith.constant 80 : index
        %get3A_331 = tpu.vector_load %arg15[%get3A_329, %get3A_330] {strides = array<i32>} : memref<128x128xf32, #tpu.memory_space<vmem>>, vector<16xf32>,
        %add3A_332 = arith.addi %mul3A_225, %scan3A_232 : i32
        %get3A_333 = arith.index_cast %add3A_332 : i32 to index
        %get3A_334 = arith.constant 80 : index
        %get3A_335 = tpu.vector_load %arg10[%get3A_333, %get3A_334] {strides = array<i32>} : memref<512x128xf32, #tpu.memory_space<vmem>>, vector<16xf32>,
        %mul3A_336 = vector.broadcast %convert_element_type3A_236 : f32 to vector<16xf32>
        %mul3A_337 = arith.mulf %mul3A_336, %sub3A_63 : vector<16xf32>
        %add3A_338 = arith.addf %get3A_26, %mul3A_337 : vector<16xf32>
        %mul3A_339 = vector.broadcast %convert_element_type3A_240 : f32 to vector<16xf32>
        %mul3A_340 = arith.mulf %mul3A_339, %sub3A_127 : vector<16xf32>
        %add3A_341 = arith.addf %add3A_338, %mul3A_340 : vector<16xf32>
        %add3A_342 = arith.addf %get3A_331, %get3A_335 : vector<16xf32>
        %add3A_343 = arith.addf %add3A_342, %add3A_341 : vector<16xf32>
        %add3A_344 = arith.addf %add3A_326, %add3A_343 : vector<16xf32>
        %mul3A_345 = arith.mulf %add3A_343, %add3A_343 : vector<16xf32>
        %add3A_346 = arith.addf %add3A_328, %mul3A_345 : vector<16xf32>
        %get3A_347 = arith.index_cast %scan3A_232 : i32 to index
        %get3A_348 = arith.constant 96 : index
        %get3A_349 = tpu.vector_load %arg15[%get3A_347, %get3A_348] {strides = array<i32>} : memref<128x128xf32, #tpu.memory_space<vmem>>, vector<16xf32>,
        %add3A_350 = arith.addi %mul3A_225, %scan3A_232 : i32
        %get3A_351 = arith.index_cast %add3A_350 : i32 to index
        %get3A_352 = arith.constant 96 : index
        %get3A_353 = tpu.vector_load %arg10[%get3A_351, %get3A_352] {strides = array<i32>} : memref<512x128xf32, #tpu.memory_space<vmem>>, vector<16xf32>,
        %mul3A_354 = vector.broadcast %convert_element_type3A_236 : f32 to vector<16xf32>
        %mul3A_355 = arith.mulf %mul3A_354, %sub3A_68 : vector<16xf32>
        %add3A_356 = arith.addf %get3A_30, %mul3A_355 : vector<16xf32>
        %mul3A_357 = vector.broadcast %convert_element_type3A_240 : f32 to vector<16xf32>
        %mul3A_358 = arith.mulf %mul3A_357, %sub3A_136 : vector<16xf32>
        %add3A_359 = arith.addf %add3A_356, %mul3A_358 : vector<16xf32>
        %add3A_360 = arith.addf %get3A_349, %get3A_353 : vector<16xf32>
        %add3A_361 = arith.addf %add3A_360, %add3A_359 : vector<16xf32>
        %add3A_362 = arith.addf %add3A_344, %add3A_361 : vector<16xf32>
        %mul3A_363 = arith.mulf %add3A_361, %add3A_361 : vector<16xf32>
        %add3A_364 = arith.addf %add3A_346, %mul3A_363 : vector<16xf32>
        %get3A_365 = arith.index_cast %scan3A_232 : i32 to index
        %get3A_366 = arith.constant 112 : index
        %get3A_367 = tpu.vector_load %arg15[%get3A_365, %get3A_366] {strides = array<i32>} : memref<128x128xf32, #tpu.memory_space<vmem>>, vector<16xf32>,
        %add3A_368 = arith.addi %mul3A_225, %scan3A_232 : i32
        %get3A_369 = arith.index_cast %add3A_368 : i32 to index
        %get3A_370 = arith.constant 112 : index
        %get3A_371 = tpu.vector_load %arg10[%get3A_369, %get3A_370] {strides = array<i32>} : memref<512x128xf32, #tpu.memory_space<vmem>>, vector<16xf32>,
        %mul3A_372 = vector.broadcast %convert_element_type3A_236 : f32 to vector<16xf32>
        %mul3A_373 = arith.mulf %mul3A_372, %sub3A_73 : vector<16xf32>
        %add3A_374 = arith.addf %get3A_34, %mul3A_373 : vector<16xf32>
        %mul3A_375 = vector.broadcast %convert_element_type3A_240 : f32 to vector<16xf32>
        %mul3A_376 = arith.mulf %mul3A_375, %sub3A_145 : vector<16xf32>
        %add3A_377 = arith.addf %add3A_374, %mul3A_376 : vector<16xf32>
        %add3A_378 = arith.addf %get3A_367, %get3A_371 : vector<16xf32>
        %add3A_379 = arith.addf %add3A_378, %add3A_377 : vector<16xf32>
        %add3A_380 = arith.addf %add3A_362, %add3A_379 : vector<16xf32>
        %mul3A_381 = arith.mulf %add3A_379, %add3A_379 : vector<16xf32>
        %add3A_382 = arith.addf %add3A_364, %mul3A_381 : vector<16xf32>
        %reduce_sum3A = arith.constant true
        %reduce_sum3A_383 = vector.broadcast %reduce_sum3A : i1 to vector<16xi1>
        %reduce_sum3A_384 = tpu.scan <sum>, %add3A_380 masked %reduce_sum3A_383 : vector<16xf32>, vector<16xi1> -> vector<16xf32>
        %reduce_sum3A_385 = vector.extract %reduce_sum3A_384[15] : f32 from vector<16xf32>
        %mul3A_386 = arith.constant 7.812500e-03 : f32
        %mul3A_387 = arith.mulf %reduce_sum3A_385, %mul3A_386 : f32
        %reduce_sum3A_388 = arith.constant true
        %reduce_sum3A_389 = vector.broadcast %reduce_sum3A_388 : i1 to vector<16xi1>
        %reduce_sum3A_390 = tpu.scan <sum>, %add3A_382 masked %reduce_sum3A_389 : vector<16xf32>, vector<16xi1> -> vector<16xf32>
        %reduce_sum3A_391 = vector.extract %reduce_sum3A_390[15] : f32 from vector<16xf32>
        %mul3A_392 = arith.constant 7.812500e-03 : f32
        %mul3A_393 = arith.mulf %reduce_sum3A_391, %mul3A_392 : f32
        %mul3A_394 = arith.mulf %mul3A_387, %mul3A_387 : f32
        %sub3A_395 = arith.subf %mul3A_393, %mul3A_394 : f32
        %add3A_396 = arith.constant 9.99999996E-13 : f32
        %add3A_397 = arith.addf %sub3A_395, %add3A_396 : f32
        %bitcast_convert_type3A = arith.bitcast %add3A_397 : f32 to i32
        %shift_right_arithmetic3A = arith.constant 1 : i32
        %shift_right_arithmetic3A_398 = arith.shrsi %bitcast_convert_type3A, %shift_right_arithmetic3A : i32
        %sub3A_399 = arith.constant 1597463007 : i32
        %sub3A_400 = arith.subi %sub3A_399, %shift_right_arithmetic3A_398 : i32
        %bitcast_convert_type3A_401 = arith.bitcast %sub3A_400 : i32 to f32
        %mul3A_402 = arith.constant 5.000000e-01 : f32
        %mul3A_403 = arith.mulf %mul3A_402, %add3A_397 : f32
        %mul3A_404 = arith.mulf %mul3A_403, %bitcast_convert_type3A_401 : f32
        %mul3A_405 = arith.mulf %mul3A_404, %bitcast_convert_type3A_401 : f32
        %sub3A_406 = arith.constant 1.500000e+00 : f32
        %sub3A_407 = arith.subf %sub3A_406, %mul3A_405 : f32
        %mul3A_408 = arith.mulf %bitcast_convert_type3A_401, %sub3A_407 : f32
        %mul3A_409 = arith.mulf %mul3A_403, %mul3A_408 : f32
        %mul3A_410 = arith.mulf %mul3A_409, %mul3A_408 : f32
        %sub3A_411 = arith.constant 1.500000e+00 : f32
        %sub3A_412 = arith.subf %sub3A_411, %mul3A_410 : f32
        %mul3A_413 = arith.mulf %mul3A_408, %sub3A_412 : f32
        %mul3A_414 = arith.mulf %mul3A_403, %mul3A_413 : f32
        %mul3A_415 = arith.mulf %mul3A_414, %mul3A_413 : f32
        %sub3A_416 = arith.constant 1.500000e+00 : f32
        %sub3A_417 = arith.subf %sub3A_416, %mul3A_415 : f32
        %mul3A_418 = arith.mulf %mul3A_413, %sub3A_417 : f32
        %mul3A_419 = arith.mulf %mul3A_403, %mul3A_418 : f32
        %mul3A_420 = arith.mulf %mul3A_419, %mul3A_418 : f32
        %sub3A_421 = arith.constant 1.500000e+00 : f32
        %sub3A_422 = arith.subf %sub3A_421, %mul3A_420 : f32
        %mul3A_423 = arith.mulf %mul3A_418, %sub3A_422 : f32
        %sub3A_424 = vector.broadcast %mul3A_387 : f32 to vector<16xf32>
        %sub3A_425 = arith.subf %add3A_255, %sub3A_424 : vector<16xf32>
        %mul3A_426 = vector.broadcast %mul3A_423 : f32 to vector<16xf32>
        %mul3A_427 = arith.mulf %sub3A_425, %mul3A_426 : vector<16xf32>
        %mul3A_428 = arith.mulf %mul3A_427, %get3A_149 : vector<16xf32>
        %add3A_429 = arith.addf %mul3A_428, %get3A_181 : vector<16xf32>
        %swap3A = arith.index_cast %scan3A_232 : i32 to index
        %swap3A_430 = arith.constant 0 : index
        %swap3A_431 = tpu.vector_load %arg15[%swap3A, %swap3A_430] {strides = array<i32>} : memref<128x128xf32, #tpu.memory_space<vmem>>, vector<16xf32>,
        tpu.vector_store %arg15[%swap3A, %swap3A_430], %add3A_429 {strides = array<i32>} : memref<128x128xf32, #tpu.memory_space<vmem>>, vector<16xf32>,
        %sub3A_432 = vector.broadcast %mul3A_387 : f32 to vector<16xf32>
        %sub3A_433 = arith.subf %add3A_271, %sub3A_432 : vector<16xf32>
        %mul3A_434 = vector.broadcast %mul3A_423 : f32 to vector<16xf32>
        %mul3A_435 = arith.mulf %sub3A_433, %mul3A_434 : vector<16xf32>
        %mul3A_436 = arith.mulf %mul3A_435, %get3A_153 : vector<16xf32>
        %add3A_437 = arith.addf %mul3A_436, %get3A_185 : vector<16xf32>
        %swap3A_438 = arith.index_cast %scan3A_232 : i32 to index
        %swap3A_439 = arith.constant 16 : index
        %swap3A_440 = tpu.vector_load %arg15[%swap3A_438, %swap3A_439] {strides = array<i32>} : memref<128x128xf32, #tpu.memory_space<vmem>>, vector<16xf32>,
        tpu.vector_store %arg15[%swap3A_438, %swap3A_439], %add3A_437 {strides = array<i32>} : memref<128x128xf32, #tpu.memory_space<vmem>>, vector<16xf32>,
        %sub3A_441 = vector.broadcast %mul3A_387 : f32 to vector<16xf32>
        %sub3A_442 = arith.subf %add3A_289, %sub3A_441 : vector<16xf32>
        %mul3A_443 = vector.broadcast %mul3A_423 : f32 to vector<16xf32>
        %mul3A_444 = arith.mulf %sub3A_442, %mul3A_443 : vector<16xf32>
        %mul3A_445 = arith.mulf %mul3A_444, %get3A_157 : vector<16xf32>
        %add3A_446 = arith.addf %mul3A_445, %get3A_189 : vector<16xf32>
        %swap3A_447 = arith.index_cast %scan3A_232 : i32 to index
        %swap3A_448 = arith.constant 32 : index
        %swap3A_449 = tpu.vector_load %arg15[%swap3A_447, %swap3A_448] {strides = array<i32>} : memref<128x128xf32, #tpu.memory_space<vmem>>, vector<16xf32>,
        tpu.vector_store %arg15[%swap3A_447, %swap3A_448], %add3A_446 {strides = array<i32>} : memref<128x128xf32, #tpu.memory_space<vmem>>, vector<16xf32>,
        %sub3A_450 = vector.broadcast %mul3A_387 : f32 to vector<16xf32>
        %sub3A_451 = arith.subf %add3A_307, %sub3A_450 : vector<16xf32>
        %mul3A_452 = vector.broadcast %mul3A_423 : f32 to vector<16xf32>
        %mul3A_453 = arith.mulf %sub3A_451, %mul3A_452 : vector<16xf32>
        %mul3A_454 = arith.mulf %mul3A_453, %get3A_161 : vector<16xf32>
        %add3A_455 = arith.addf %mul3A_454, %get3A_193 : vector<16xf32>
        %swap3A_456 = arith.index_cast %scan3A_232 : i32 to index
        %swap3A_457 = arith.constant 48 : index
        %swap3A_458 = tpu.vector_load %arg15[%swap3A_456, %swap3A_457] {strides = array<i32>} : memref<128x128xf32, #tpu.memory_space<vmem>>, vector<16xf32>,
        tpu.vector_store %arg15[%swap3A_456, %swap3A_457], %add3A_455 {strides = array<i32>} : memref<128x128xf32, #tpu.memory_space<vmem>>, vector<16xf32>,
        %sub3A_459 = vector.broadcast %mul3A_387 : f32 to vector<16xf32>
        %sub3A_460 = arith.subf %add3A_325, %sub3A_459 : vector<16xf32>
        %mul3A_461 = vector.broadcast %mul3A_423 : f32 to vector<16xf32>
        %mul3A_462 = arith.mulf %sub3A_460, %mul3A_461 : vector<16xf32>
        %mul3A_463 = arith.mulf %mul3A_462, %get3A_165 : vector<16xf32>
        %add3A_464 = arith.addf %mul3A_463, %get3A_197 : vector<16xf32>
        %swap3A_465 = arith.index_cast %scan3A_232 : i32 to index
        %swap3A_466 = arith.constant 64 : index
        %swap3A_467 = tpu.vector_load %arg15[%swap3A_465, %swap3A_466] {strides = array<i32>} : memref<128x128xf32, #tpu.memory_space<vmem>>, vector<16xf32>,
        tpu.vector_store %arg15[%swap3A_465, %swap3A_466], %add3A_464 {strides = array<i32>} : memref<128x128xf32, #tpu.memory_space<vmem>>, vector<16xf32>,
        %sub3A_468 = vector.broadcast %mul3A_387 : f32 to vector<16xf32>
        %sub3A_469 = arith.subf %add3A_343, %sub3A_468 : vector<16xf32>
        %mul3A_470 = vector.broadcast %mul3A_423 : f32 to vector<16xf32>
        %mul3A_471 = arith.mulf %sub3A_469, %mul3A_470 : vector<16xf32>
        %mul3A_472 = arith.mulf %mul3A_471, %get3A_169 : vector<16xf32>
        %add3A_473 = arith.addf %mul3A_472, %get3A_201 : vector<16xf32>
        %swap3A_474 = arith.index_cast %scan3A_232 : i32 to index
        %swap3A_475 = arith.constant 80 : index
        %swap3A_476 = tpu.vector_load %arg15[%swap3A_474, %swap3A_475] {strides = array<i32>} : memref<128x128xf32, #tpu.memory_space<vmem>>, vector<16xf32>,
        tpu.vector_store %arg15[%swap3A_474, %swap3A_475], %add3A_473 {strides = array<i32>} : memref<128x128xf32, #tpu.memory_space<vmem>>, vector<16xf32>,
        %sub3A_477 = vector.broadcast %mul3A_387 : f32 to vector<16xf32>
        %sub3A_478 = arith.subf %add3A_361, %sub3A_477 : vector<16xf32>
        %mul3A_479 = vector.broadcast %mul3A_423 : f32 to vector<16xf32>
        %mul3A_480 = arith.mulf %sub3A_478, %mul3A_479 : vector<16xf32>
        %mul3A_481 = arith.mulf %mul3A_480, %get3A_173 : vector<16xf32>
        %add3A_482 = arith.addf %mul3A_481, %get3A_205 : vector<16xf32>
        %swap3A_483 = arith.index_cast %scan3A_232 : i32 to index
        %swap3A_484 = arith.constant 96 : index
        %swap3A_485 = tpu.vector_load %arg15[%swap3A_483, %swap3A_484] {strides = array<i32>} : memref<128x128xf32, #tpu.memory_space<vmem>>, vector<16xf32>,
        tpu.vector_store %arg15[%swap3A_483, %swap3A_484], %add3A_482 {strides = array<i32>} : memref<128x128xf32, #tpu.memory_space<vmem>>, vector<16xf32>,
        %sub3A_486 = vector.broadcast %mul3A_387 : f32 to vector<16xf32>
        %sub3A_487 = arith.subf %add3A_379, %sub3A_486 : vector<16xf32>
        %mul3A_488 = vector.broadcast %mul3A_423 : f32 to vector<16xf32>
        %mul3A_489 = arith.mulf %sub3A_487, %mul3A_488 : vector<16xf32>
        %mul3A_490 = arith.mulf %mul3A_489, %get3A_177 : vector<16xf32>
        %add3A_491 = arith.addf %mul3A_490, %get3A_209 : vector<16xf32>
        %swap3A_492 = arith.index_cast %scan3A_232 : i32 to index
        %swap3A_493 = arith.constant 112 : index
        %swap3A_494 = tpu.vector_load %arg15[%swap3A_492, %swap3A_493] {strides = array<i32>} : memref<128x128xf32, #tpu.memory_space<vmem>>, vector<16xf32>,
        tpu.vector_store %arg15[%swap3A_492, %swap3A_493], %add3A_491 {strides = array<i32>} : memref<128x128xf32, #tpu.memory_space<vmem>>, vector<16xf32>,
      }
      %scan3A_231 = arith.constant 128 : i32
      "tpu.region"() ({
        %run_scoped3A_232 = tpu.sem_alloc : memref<!tpu.dma_semaphore, #tpu.memory_space<semaphore_mem>>
        %dma_start3A_233 = arith.constant 0 : i32
        %dma_start3A_234 = tpu.memref_slice %arg9[%add3A_218, %dma_start3A_233] : memref<524288x128xf32, #tpu.memory_space<hbm>> -> memref<128x128xf32, #tpu.memory_space<hbm>>
        %dma_start3A_235 = arith.constant 0 : i32
        %dma_start3A_236 = tpu.memref_slice %arg9[%add3A_218, %dma_start3A_235] : memref<524288x128xf32, #tpu.memory_space<hbm>> -> memref<128x128xf32, #tpu.memory_space<hbm>>
        tpu.enqueue_dma source(%arg15 : memref<128x128xf32, #tpu.memory_space<vmem>>) target(%dma_start3A_236 : memref<128x128xf32, #tpu.memory_space<hbm>>) target_semaphore(%run_scoped3A_232 : memref<!tpu.dma_semaphore, #tpu.memory_space<semaphore_mem>>)
        %dma_wait3A_237 = arith.constant 0 : i32
        %dma_wait3A_238 = tpu.memref_slice %arg9[%add3A_218, %dma_wait3A_237] : memref<524288x128xf32, #tpu.memory_space<hbm>> -> memref<128x128xf32, #tpu.memory_space<hbm>>
        %dma_wait3A_239 = arith.constant 0 : i32
        %dma_wait3A_240 = tpu.memref_slice %arg9[%add3A_218, %dma_wait3A_239] : memref<524288x128xf32, #tpu.memory_space<hbm>> -> memref<128x128xf32, #tpu.memory_space<hbm>>
        tpu.wait_dma2 semaphore(%run_scoped3A_232 : memref<!tpu.dma_semaphore, #tpu.memory_space<semaphore_mem>>) src(%arg15 : memref<128x128xf32, #tpu.memory_space<vmem>>) dst(%dma_wait3A_240 : memref<128x128xf32, #tpu.memory_space<hbm>>)
        tpu.yield
      }) : () -> ()
    }
    %scan3A_214 = arith.constant 128 : i32
    return
  }
}

</mosaic_0001>

<sc_bundles>
// kernel: kernel.3.cloned.1.call-start
scs
__scs_entry_jumppad:
0x0: {  	(pc) =	sbr.rel $0x88, $3  }
0x1: {  	(tag) =	ssettag $0x0;
	lr =	simm.s32 $0x1  }
0x2: {  	[smem:$0x3F9A] =	sst lr;
	_ =	strace $0xD0000000  }
0x3: {  	_ = 	snop  }
0x4: {  	_ = 	snop  }
0x5: {  	_ = 	snop  }
0x6: {  	_ = 	snop  }
0x7: {  	_ = 	snop  }
__scs_overlays_trampoline_lowered:
0x8: {  	[smem:$0x3FA9] =	sst s0  }
0x9: {  	[smem:$0x3FAA] =	sst s1  }
0xa: {  	[smem:$0x3FAB] =	sst s2  }
0xb: {  	[smem:$0x3FAC] =	sst s3  }
0xc: {  	[smem:$0x3FAD] =	sst s4  }
0xd: {  	[smem:$0x3FAE] =	sst s5  }
0xe: {  	[smem:$0x3FAF] =	sst s6  }
0xf: {  	[smem:$0x3FB0] =	sst s7  }
0x10: {  	[smem:$0x3FB1] =	sst s8  }
0x11: {  	[smem:$0x3FB2] =	sst s9;
	s0 =	simm.s32 @!p0 $0x0  }
0x12: {  	s1 =	sld [smem:$0x3F98];
	s0 =	simm.s32 @p0 $0x1  }
0x13: {  	[smem:$0x3FB3] =	sst s0;
	s0 =	simm.s32 @!p1 $0x0  }
0x14: {  	s2 =	sld [smem:$0x3F97];
	s0 =	simm.s32 @p1 $0x1  }
0x15: {  	[smem:$0x3FB4] =	sst s0;
	s0 =	simm.s32 @!p2 $0x0  }
0x16: {  	s3 =	sld [smem:$0x3FDB];
	s0 =	simm.s32 @p2 $0x1  }
0x17: {  	s4 =	simm.s32 $0x1BF5;
	[smem:$0x3FB6] =	sst s0  }
0x18: {  	s0 =	sld [smem:$0x3F99];
	_ =	swait.ge [sflag:s4], $0x0  }
0x19: {  	s7 =	sld [smem:$0x3F9A]  }
0x1a: {  	s8 =	sadd.s32 $0xFFFFE003, lr  }
0x1b: {  	s9 =	sadd.s32 $0xFFFFFEF7, lr;
	s5 =	simm.s32 $0xFFFFFFFF;
	p2 =	slt.u32 s8, $0xFFFFF086  }
0x1c: {  	p1 =	slt.u32 s9, $0xF7A;
	s5 =	simm.s32 @!p2 $0x0  }
0x1d: {  	s5 =	simm.s32 @p1 $0x1;
	p0 =	seq.s32 s7, s2  }
0x1e: {  	s7 =	smul.u32 @!p0 $0xF7A, s2;
	p2 =	seq.s32 @!p0 s5, $0x0  }
0x1f: {  	s9 =	smul.u32 $0xF7A, s1;
	s8 =	simm.s32 @!p0 $0x1BF5;
	p2 =	por !p2, p0  }
0x20: {  	[sflag:s8] =	ssyncset.s32 @!p0 $0xFFFFF086;
	s6 =	sadd.s32 @!p0 s3, s7;
	s7 =	simm.s32 @!p0 $0x108  }
0x21: {  	s3 =	sadd.s32 s3, s9;
	s6 =	sadd.s32 @!p0 $0x88, s6;
	s7 =	simm.s32 @p2 $0x1082  }
0x22: {  	[simem:s7], [sflag:s8] =	dma.local @!p0 [hbm:s6], $0xF7A  }
0x23: {  	s9 =	sor.u32 $0xD0000000, s2;
	s6 =	simm.s32 $0x108;
	_ =	swait.ge @!p0 [sflag:s8], $0x0  }
0x24: {  	s3 =	sadd.s32 $0x88, s3;
	s6 =	simm.s32 @!p1 $0x1082;
	[sflag:s4] =	ssyncset.s32 $0xFFFFF086  }
0x25: {  	[simem:s6], [sflag:s4] =	dma.local [hbm:s3], $0xF7A  }
0x26: {  	[smem:$0x3F9A] =	sst s1;
	(tag) =	ssettag s2;
	_ =	strace s9  }
0x27: {  	s1 =	sld [smem:$0x3FAA]  }
0x28: {  	s2 =	sld [smem:$0x3FAB]  }
0x29: {  	s4 =	sld [smem:$0x3FAD]  }
0x2a: {  	p0 =	seq.s32 s5, $0x0;
	s5 =	sld [smem:$0x3FAE]  }
0x2b: {  	s6 =	sld [smem:$0x3FAF]  }
0x2c: {  	s7 =	sld [smem:$0x3FB0]  }
0x2d: {  	s3 =	simm.s32 $0x108;
	s8 =	sld [smem:$0x3FB1]  }
0x2e: {  	s3 =	simm.s32 @!p0 $0x1082;
	s9 =	sld [smem:$0x3FB2]  }
0x2f: {  	lr =	sadd.s32 s0, s3;
	s0 =	sld [smem:$0x3FA9]  }
0x30: {  	s3 =	sld [smem:$0x3FAC]  }
0x31: {  	[smem:$0x3FB5] =	sst s10  }
0x32: {  	s10 =	sld [smem:$0x3FB3];
	_ =	sdelay $0x3  }
0x33: {  	p0 =	seq.s32 s10, $0x1;
	s10 =	sld [smem:$0x3FB5];
	_ =	sdelay $0x3  }
0x34: {  	[smem:$0x3FB5] =	sst s10  }
0x35: {  	s10 =	sld [smem:$0x3FB4];
	_ =	sdelay $0x3  }
0x36: {  	p1 =	seq.s32 s10, $0x1;
	s10 =	sld [smem:$0x3FB5];
	_ =	sdelay $0x3  }
0x37: {  	[smem:$0x3FB5] =	sst s10  }
0x38: {  	s10 =	sld [smem:$0x3FB6]  }
0x39: {  	_ = 	snop;
	(pc) =	sbr.ind lr, $3  }
0x3a: {  	_ = 	snop  }
0x3b: {  	_ = 	snop  }
0x3c: {  	p2 =	seq.s32 s10, $0x1;
	s10 =	sld [smem:$0x3FB5]  }
0x3d: {  	_ =	shalt  }
0x3e: {  	_ =	shalt  }
0x3f: {  	_ =	shalt  }
0x40: {  	_ =	shalt  }
0x41: {  	_ =	shalt  }
0x42: {  	_ =	shalt  }
0x43: {  	_ =	shalt  }
0x44: {  	_ =	shalt  }
0x45: {  	_ =	shalt  }
0x46: {  	_ =	shalt  }
0x47: {  	_ =	shalt  }
0x48: {  	_ =	shalt  }
0x49: {  	_ =	shalt  }
0x4a: {  	_ =	shalt  }
0x4b: {  	_ =	shalt  }
0x4c: {  	_ =	shalt  }
0x4d: {  	_ =	shalt  }
0x4e: {  	_ =	shalt  }
0x4f: {  	_ =	shalt  }
0x50: {  	_ =	shalt  }
0x51: {  	_ =	shalt  }
0x52: {  	_ =	shalt  }
0x53: {  	_ =	shalt  }
0x54: {  	_ =	shalt  }
0x55: {  	_ =	shalt  }
0x56: {  	_ =	shalt  }
0x57: {  	_ =	shalt  }
0x58: {  	_ =	shalt  }
0x59: {  	_ =	shalt  }
0x5a: {  	_ =	shalt  }
0x5b: {  	_ =	shalt  }
0x5c: {  	_ =	shalt  }
0x5d: {  	_ =	shalt  }
0x5e: {  	_ =	shalt  }
0x5f: {  	_ =	shalt  }
0x60: {  	_ =	shalt  }
0x61: {  	_ =	shalt  }
0x62: {  	_ =	shalt  }
0x63: {  	_ =	shalt  }
0x64: {  	_ =	shalt  }
0x65: {  	_ =	shalt  }
0x66: {  	_ =	shalt  }
0x67: {  	_ =	shalt  }
0x68: {  	_ =	shalt  }
0x69: {  	_ =	shalt  }
0x6a: {  	_ =	shalt  }
0x6b: {  	_ =	shalt  }
0x6c: {  	_ =	shalt  }
0x6d: {  	_ =	shalt  }
0x6e: {  	_ =	shalt  }
0x6f: {  	_ =	shalt  }
0x70: {  	_ =	shalt  }
0x71: {  	_ =	shalt  }
0x72: {  	_ =	shalt  }
0x73: {  	_ =	shalt  }
0x74: {  	_ =	shalt  }
0x75: {  	_ =	shalt  }
0x76: {  	_ =	shalt  }
0x77: {  	_ =	shalt  }
0x78: {  	_ =	shalt  }
0x79: {  	_ =	shalt  }
0x7a: {  	_ =	shalt  }
0x7b: {  	_ =	shalt  }
0x7c: {  	_ =	shalt  }
0x7d: {  	_ =	shalt  }
0x7e: {  	_ =	shalt  }
0x7f: {  	_ =	shalt  }
0x80: {  	_ =	shalt  }
0x81: {  	_ =	shalt  }
0x82: {  	_ =	shalt  }
0x83: {  	_ =	shalt  }
0x84: {  	_ =	shalt  }
0x85: {  	_ =	shalt  }
0x86: {  	_ =	shalt  }
0x87: {  	_ =	shalt  }
.Lfunc_end0:
.L_simem_size_0:
called_computation_lowered:
.L_overlay_start_0:
0x88: {  	s2 =	sld [smem:$0x3FD9]  }
0x89: {  	s3 =	sld [smem:$0x3FFE];
	_ =	sdelay $0x1  }
0x8a: {  	s1 =	srdreg.scid  }
0x8b: {  	s0 =	sand.u32 $0x1, s1  }
0x8c: {  	s17 =	sshll.u32 s0, $0xA;
	s2 =	sadd.s32 s3, s2  }
0x8d: {  	s2 =	sadd.s32 s2, s17  }
0x8e: {  	[smem:$0x3FC1] =	sst s2  }
0x8f: {  	_ = 	snop  }
0x90: {  	s2 =	sld [smem:$0x3FC7]  }
0x91: {  	s18 =	sld [smem:$0x3FC6]  }
0x92: {  	s4 =	sld [smem:$0x3FC5]  }
0x93: {  	s5 =	sld [smem:$0x3FC4]  }
0x94: {  	s6 =	sld [smem:$0x3FC3]  }
0x95: {  	s7 =	sld [smem:$0x3FD0];
	(tm) =	ssettm $0x1  }
0x96: {  	s8 =	sld [smem:$0x3FFB];
	_ =	sdelay $0x3  }
0x97: {  	_ =	strace s8  }
0x98: {  	s8 =	sld [smem:$0x3FFC];
	_ =	sdelay $0x3  }
0x99: {  	_ =	strace s8  }
0x9a: {  	s8 =	sld [smem:$0x3FFD];
	_ =	sdelay $0x3  }
0x9b: {  	_ =	strace s8  }
0x9c: {  	_ =	strace $0x8FFFFFFF  }
0x9d: {  	s19 =	sld [smem:$0x3FDB];
	_ =	sdelay $0x1  }
0x9e: {  	s9 =	simm.s32 $_scs_section_size  }
0x9f: {  	s10 =	simm.s32 $_size__tile_overlayer_lowered;
	s11 =	simm.s32 $_tile_overlayer_lowered  }
0xa0: {  	s22 =	simm.s32 $0x1BFF;
	s21 =	sshll.u32 s11, $0x1;
	s8 =	sadd.s32 s9, s19  }
0xa1: {  	s12 =	simm.s32 $0x0;
	s20 =	sshll.u32 s10, $0x1;
	s10 =	sadd.s32 s21, s8  }
0xa2: {  	[timem:s12], [sflag:s22] =	dma.local [hbm:s10], s20  }
0xa3: {  	_ =	swait.ge [sflag:s22], s20  }
0xa4: {  	s9 =	ssub.s32 $0x0, s20;
	[sflag:s22] =	ssyncset.done $0x0  }
0xa5: {  	[sflag:s22] =	ssyncadd.s32 s9;
	_ =	sdelay $0x1  }
0xa6: {  	s23 =	simm.s32 $0x1B8B  }
0xa7: {  	_ =	swait.ge [sflag:s23], $0x1  }
0xa8: {  	[sflag:s23] =	ssyncset.done $0x0  }
0xa9: {  	s25 =	simm.s32 $0x1B8E;
	s24 =	sld [smem:$0x3FFE];
	[sflag:s23] =	ssyncadd.s32 $0xFFFFFFFF  }
0xaa: {  	s26 =	simm.s32 $execute0_lowered;
	[smem:$0x3FD2] =	sst s25  }
0xab: {  	s10 =	sshll.u32 s26, $0x1;
	_ =	strace $0x80000046;
	[dreg:$0x1] =	wrdreg $0xFFFFFFFF  }
0xac: {  	s28 =	simm.s32 $_size_execute0_lowered;
	s8 =	sadd.s32 s8, s10;
	[dreg:$0x0] =	wrdreg $0x0  }
0xad: {  	s10 =	sshll.u32 s28, $0x1;
	[dreg:$0x2] =	wrdreg s8  }
0xae: {  	[dreg:$0x3] =	wrdreg s10  }
0xaf: {  	[dreg:$0x4] =	wrdreg $0xC0  }
0xb0: {  	_ =	task [dreg:s12], $0x5FFFF  }
0xb1: {  	[dreg:$0x1] =	wrdreg $0xFFFFFFFF  }
0xb2: {  	[dreg:$0x0] =	wrdreg $0x60  }
0xb3: {  	[dreg:$0x2] =	wrdreg s24  }
0xb4: {  	[dreg:$0x3] =	wrdreg s2  }
0xb5: {  	[dreg:$0x4] =	wrdreg s18  }
0xb6: {  	[dreg:$0x5] =	wrdreg s4  }
0xb7: {  	[dreg:$0x6] =	wrdreg s5  }
0xb8: {  	[dreg:$0x7] =	wrdreg s6  }
0xb9: {  	[dreg:$0x8] =	wrdreg s7  }
0xba: {  	[dreg:$0x9] =	wrdreg $0x9  }
0xbb: {  	_ =	task.clear_ibuf [dreg:s12], $0xAFFFF;
	_ =	strace $0x90000046  }
0xbc: {  	s29 =	simm.s32 $0x9;
	_ =	strace $0x80000048  }
0xbd: {  	_ =	swait.ge [sflag:s29], $0x1  }
0xbe: {  	[sflag:s29] =	ssyncadd.s32 $0xFFFFFFFF  }
0xbf: {  	_ =	strace $0x90000048  }
0xc0: {  	_ =	sfence  }
0xc1: {  	s30 =	sld [smem:$0x0];
	_ =	sdelay $0x2  }
0xc2: {  	s31 =	sshll.u32 s1, $0xD;
	s1 =	sshrl.u32 s1, $0x2  }
0xc3: {  	s3 =	sand.u32 $0x4000, s31;
	s1 =	sadd.s32 s1, s30  }
0xc4: {  	s0 =	sor.u32 s3, s0;
	s1 =	sshll.u32 s1, $0x11  }
0xc5: {  	s0 =	sor.u32 s1, s0  }
0xc6: {  	s0 =	sadd.s32 $0x8F2B, s0  }
0xc7: {  	[sflag:s0] =	ssyncadd.remote.s32 $0x1  }
0xc8: {  	_ =	sfence.sel $0xFFFF  }
0xc9: {  	[dreg:$0x0] =	wrdreg $0xFFFFFFFF;
	(pc) =	sbr.abs _section_cstart, $3  }
0xca: {  	[dreg:$0x1] =	wrdreg $0xFFFFFFFF  }
0xcb: {  	_ =	task.clear_ibuf [dreg:s12], $0x2FFFF;
	_ =	strace $0x9FFFFFFF  }
0xcc: {  	(tm) =	ssettm $0x7FFFFFFF  }
0xcd: {  	_ =	shalt  }
tec
execute0_lowered:
.L_overlay_start_1:
0x0: {  	(tag) =	ssettag $0x1  }
0x1: {  	s0 =	rddreg [dreg:$0x0]  }
0x2: {  	s1 =	rddreg [dreg:$0x1]  }
0x3: {  	s2 =	rddreg [dreg:$0x2]  }
0x4: {  	s3 =	rddreg [dreg:$0x3]  }
0x5: {  	s4 =	rddreg [dreg:$0x4]  }
0x6: {  	s5 =	rddreg [dreg:$0x5]  }
0x7: {  	s6 =	rddreg [dreg:$0x6]  }
0x8: {  	s7 =	simm.s32 $0x0;
	s8 =	srdreg.scid;
	s14 =	simm.s32 $0x10000  }
0x9: {  	s15 =	simm.s32 $0x10200;
	s16 =	simm.s32 $0x10280;
	s17 =	simm.s32 $0x10300  }
0xa: {  	s18 =	simm.s32 $0x80;
	s19 =	simm.s32 $0x10480;
	s20 =	simm.s32 $0x1  }
0xb: {  	s21 =	simm.s32 $0x0;
	[smem:$0x7FF] =	sst s7;
	s10 =	sand.u32 $0x1, s8  }
0xc: {  	s9 =	sadd.s32 $0x600, s0;
	s8 =	stileid.u32;
	s11 =	ssub.s32 $0x2, s10  }
0xd: {  	_ =	strace $0x80000047;
	s31 =	sshll.u32 s8, $0xF;
	s12 =	sshrl.u32 s11, $0x1  }
0xe: {  	s13 =	sshll.u32 s10, $0xE;
	s10 =	sadd.s32 $0x10600, s0;
	s12 =	ssub.s32 s11, s12  }
0xf: {  	s11 =	sor.u32 s13, s31;
	s13 =	simm.s32 $0x2;
	s12 =	smax.u32 s12, $0x1  }
.LBB2_1:
0x10: {  	[tilespmem:s7], [sflag:$0x2] =	stream.linear.gather [hbm4b:s3+s7], $0x10000, $0x38;
	[tilespmem:$0x14480] =	vst v63  }
0x11: {  	_ =	swait.ge [sflag:s13], $0x10000  }
0x12: {  	[sflag:s13] =	ssyncset.done $0x0  }
0x13: {  	[sflag:s13] =	ssyncadd.s32 $0xFFFF0000  }
0x14: {  	[tilespmem:s14], [sflag:$0x2] =	stream.linear.gather [hbm4b:s2+s7], $0x180, $0x38;
	[tilespmem:$0x14480] =	vst v63  }
0x15: {  	_ =	swait.ge [sflag:s13], $0x180  }
0x16: {  	[sflag:s13] =	ssyncset.done $0x0  }
0x17: {  	[sflag:s13] =	ssyncadd.s32 $0xFFFFFE80  }
0x18: {  	[tilespmem:s15], [sflag:$0x2] =	stream.linear.gather [hbm4b:s4+s7], $0x80, $0x38;
	[tilespmem:$0x14480] =	vst v63  }
0x19: {  	_ =	swait.ge [sflag:s13], $0x80  }
0x1a: {  	[sflag:s13] =	ssyncset.done $0x0  }
0x1b: {  	[sflag:s13] =	ssyncadd.s32 $0xFFFFFF80  }
0x1c: {  	[tilespmem:s16], [sflag:$0x2] =	stream.linear.gather [hbm4b:s5+s7], $0x80, $0x38;
	[tilespmem:$0x14480] =	vst v63  }
0x1d: {  	_ =	swait.ge [sflag:s13], $0x80  }
0x1e: {  	[sflag:s13] =	ssyncset.done $0x0  }
0x1f: {  	[sflag:s13] =	ssyncadd.s32 $0xFFFFFF80  }
0x20: {  	v0 =	vld [tilespmem:$0x10000]  }
0x21: {  	v1 =	vld [tilespmem:$0x10010]  }
0x22: {  	v2 =	vld [tilespmem:$0x10020]  }
0x23: {  	v3 =	vld [tilespmem:$0x10030]  }
0x24: {  	v4 =	vld [tilespmem:$0x10040]  }
0x25: {  	v5 =	vld [tilespmem:$0x10050]  }
0x26: {  	v6 =	vld [tilespmem:$0x10060]  }
0x27: {  	v7 =	vld [tilespmem:$0x10070]  }
0x28: {  	v23 =	vld [tilespmem:$0x10080]  }
0x29: {  	v26 =	vld [tilespmem:$0x10090]  }
0x2a: {  	v28 =	vld [tilespmem:$0x100A0]  }
0x2b: {  	v29 =	vld [tilespmem:$0x100B0]  }
0x2c: {  	v32 =	vld [tilespmem:$0x100C0]  }
0x2d: {  	v34 =	vld [tilespmem:$0x100D0]  }
0x2e: {  	v35 =	vld [tilespmem:$0x100E0]  }
0x2f: {  	v38 =	vld [tilespmem:$0x100F0]  }
0x30: {  	v24 =	vld [tilespmem:$0x10100]  }
0x31: {  	v27 =	vld [tilespmem:$0x10110]  }
0x32: {  	v30 =	vld [tilespmem:$0x10120]  }
0x33: {  	v31 =	vld [tilespmem:$0x10130]  }
0x34: {  	v33 =	vld [tilespmem:$0x10140]  }
0x35: {  	v36 =	vld [tilespmem:$0x10150]  }
0x36: {  	v37 =	vld [tilespmem:$0x10160]  }
0x37: {  	v39 =	vld [tilespmem:$0x10170]  }
0x38: {  	v8 =	vld [tilespmem:$0x10200]  }
0x39: {  	v9 =	vld [tilespmem:$0x10210]  }
0x3a: {  	v10 =	vld [tilespmem:$0x10220]  }
0x3b: {  	v11 =	vld [tilespmem:$0x10230]  }
0x3c: {  	v12 =	vld [tilespmem:$0x10240]  }
0x3d: {  	v13 =	vld [tilespmem:$0x10250]  }
0x3e: {  	v14 =	vld [tilespmem:$0x10260]  }
0x3f: {  	v15 =	vld [tilespmem:$0x10270]  }
0x40: {  	v18 =	vld [tilespmem:$0x10280];
	v16 =	vsub.f32 v23, v0;
	v17 =	vsub.f32 v26, v1  }
0x41: {  	v21 =	vld [tilespmem:$0x10290];
	v19 =	vsub.f32 v28, v2;
	v20 =	vsub.f32 v29, v3  }
0x42: {  	v22 =	vsub.f32 v32, v4;
	v23 =	vsub.f32 v24, v23;
	v24 =	vld [tilespmem:$0x102A0]  }
0x43: {  	v25 =	vsub.f32 v34, v5;
	v26 =	vsub.f32 v27, v26;
	v27 =	vld [tilespmem:$0x102B0]  }
0x44: {  	v28 =	vsub.f32 v30, v28;
	v29 =	vsub.f32 v31, v29;
	v30 =	vld [tilespmem:$0x102C0]  }
0x45: {  	v31 =	vsub.f32 v35, v6;
	v32 =	vsub.f32 v33, v32;
	v33 =	vld [tilespmem:$0x102D0]  }
0x46: {  	v34 =	vsub.f32 v36, v34;
	v35 =	vsub.f32 v37, v35;
	v36 =	vld [tilespmem:$0x102E0]  }
0x47: {  	s22 =	simm.s32 $0x0;
	s23 =	simm.s32 $0x0;
	v37 =	vsub.f32 v38, v7;
	v38 =	vsub.f32 v39, v38;
	v39 =	vld [tilespmem:$0x102F0]  }
.LBB2_2:
0x48: {  	s0 =	sshll.u32 s23, $0x7  }
0x49: {  	s24 =	sadd.s32 s11, s0  }
0x4a: {  	s0 =	sshrl.u32 s24, $0x3  }
0x4b: {  	s28 =	simm.s32 $0x0;
	s25 =	sadd.s32 s9, s0  }
0x4c: {  	[tilespmem:s17], [sflag:$0x2] =	stream.linear.gather [hbm4b:s25+s28], $0x80, $0x38;
	[tilespmem:$0x14480] =	vst v63  }
0x4d: {  	_ =	swait.ge [sflag:s13], $0x80  }
0x4e: {  	[sflag:s13] =	ssyncset.done $0x0  }
0x4f: {  	s26 =	simm.s32 $0x10380;
	s0 =	sadd.s32 s10, s0;
	[sflag:s13] =	ssyncadd.s32 $0xFFFFFF80  }
0x50: {  	[tilespmem:s26], [sflag:$0x2] =	stream.linear.gather [hbm4b:s0+s28], $0x80, $0x38;
	[tilespmem:$0x14480] =	vst v63  }
0x51: {  	_ =	swait.ge [sflag:s13], $0x80  }
0x52: {  	[sflag:s13] =	ssyncset.done $0x0  }
0x53: {  	[sflag:s13] =	ssyncadd.s32 $0xFFFFFF80  }
0x54: {  	[tilespmem:s19], [sflag:$0x1] =	stream.indirect.gather [hbm4b:s1+s18], $0x80, s17, s18, $0xb8;
	[tilespmem:$0x14480] =	vst v63  }
0x55: {  	_ =	swait.ge [sflag:s20], $0x4000  }
0x56: {  	[sflag:s20] =	ssyncset.done $0x0  }
0x57: {  	[sflag:s20] =	ssyncadd.s32 $0xFFFFC000  }
0x58: {  	v40 =	vld [tilespmem:s26+$0x0];
	_ =	sdelay $0x4  }
0x59: {  	(v2sf) =	vpush v40, $0x0;
	_ =	sdelay $0x4  }
0x5a: {  	s25 =	sand.u32 $0x3, s22  }
0x5b: {  	s0 =	sshll.u32 s25, $0xE  }
0x5c: {  	s0 =	sor.u32 $0x40, s0  }
0x5d: {  	s25 =	simm.s32 $0x0;
	v40 =	vmov s0  }
0x5e: {  	v42 =	vld [tilespmem:s25+$0x10480]  }
0x5f: {  	v44 =	vld [tilespmem:s25+$0x10490]  }
0x60: {  	v45 =	vld [tilespmem:s25+$0x104B0]  }
0x61: {  	v53 =	vld [tilespmem:s25+$0x104A0]  }
0x62: {  	v41 =	vld.idx.msk [tilespmem:v40+s25+$0xFFFFFFC0 ss:$0x1], $0xffff  }
0x63: {  	v43 =	vld.idx.msk [tilespmem:v40+s25+$0xFFFFFFD0 ss:$0x1], $0xffff  }
0x64: {  	v63 =	vld.idx.msk [tilespmem:v40+s25+$0xFFFFFFF0 ss:$0x1], $0xffff;
	s29 =	spop (v2sf)  }
0x65: {  	s28 =	simm.f32 $1.000000000e+00;
	v52 =	vld.idx.msk [tilespmem:v40+s25+$0xFFFFFFE0 ss:$0x1], $0xffff;
	p0 =	sgt.s32 s29, $0x0  }
0x66: {  	s28 =	simm.s32 @!p0 $0x0  }
0x67: {  	v41 =	vadd.f32 v41, v42;
	v46 =	vmul.f32 s28, v16  }
0x68: {  	s0 =	simm.f32 $1.000000000e+00;
	v42 =	vadd.f32 v43, v44;
	p0 =	sgt.s32 s29, $0x1;
	v47 =	vmul.f32 s28, v25;
	v55 =	vmul.f32 s28, v19  }
0x69: {  	v43 =	vadd.f32 v63, v45;
	s0 =	simm.s32 @!p0 $0x0;
	v50 =	vmul.f32 s28, v20;
	v56 =	vmul.f32 s28, v17  }
0x6a: {  	v52 =	vadd.f32 v52, v53;
	v51 =	vmul.f32 s28, v22;
	v48 =	vmul.f32 s0, v23  }
0x6b: {  	v49 =	vmul.f32 s0, v28;
	v46 =	vadd.f32 v46, v0;
	v47 =	vadd.f32 v47, v5  }
0x6c: {  	v58 =	vmul.f32 s0, v29;
	v44 =	vadd.f32 v55, v2;
	v57 =	vadd.f32 v50, v3  }
0x6d: {  	v59 =	vmul.f32 s0, v34;
	v61 =	vadd.f32 v51, v4;
	v46 =	vadd.f32 v46, v48  }
0x6e: {  	v60 =	vmul.f32 s0, v26;
	v44 =	vadd.f32 v44, v49;
	v48 =	vadd.f32 v56, v1  }
0x6f: {  	v63 =	vld [tilespmem:s25+$0x104C0];
	v49 =	vadd.f32 v57, v58;
	v45 =	vadd.f32 v47, v59  }
0x70: {  	v62 =	vmul.f32 s0, v32;
	v47 =	vld.idx.msk [tilespmem:v40+s25+$0x0 ss:$0x1], $0xffff;
	v41 =	vadd.f32 v46, v41;
	v46 =	vadd.f32 v48, v60  }
0x71: {  	v54 =	vld.idx.msk [tilespmem:v40+s25+$0x10 ss:$0x1], $0xffff;
	v58 =	vmul.f32 s28, v31;
	v59 =	vmul.f32 s28, v37;
	v43 =	vadd.f32 v43, v49  }
0x72: {  	v56 =	vld.idx.msk [tilespmem:v40+s25+$0x20 ss:$0x1], $0xffff;
	v57 =	vmul.f32 s0, v38;
	v49 =	vadd.f32 v61, v62;
	v46 =	vadd.f32 v46, v42  }
0x73: {  	v50 =	vadd.f32 v58, v6;
	v60 =	vmul.f32 s0, v35;
	v51 =	vadd.f32 v59, v7;
	v42 =	vld [tilespmem:s25+$0x104D0]  }
0x74: {  	v44 =	vadd.f32 v44, v52;
	v58 =	vld [tilespmem:s25+$0x104E0];
	v55 =	vmul.f32 v41, v41;
	v61 =	vadd.f32 v46, v41  }
0x75: {  	v48 =	vadd.f32 v51, v57;
	v51 =	vld.idx.msk [tilespmem:v40+s25+$0x30 ss:$0x1], $0xffff;
	v47 =	vadd.f32 v47, v63;
	v62 =	vmul.f32 v46, v46  }
0x76: {  	v50 =	vadd.f32 v50, v60;
	v57 =	vld [tilespmem:s25+$0x104F0];
	v52 =	vadd.f32 v61, v44  }
0x77: {  	v63 =	vmul.f32 v44, v44;
	v47 =	vadd.f32 v47, v49;
	v53 =	vadd.f32 v62, v55  }
0x78: {  	v42 =	vadd.f32 v54, v42;
	v59 =	vadd.f32 v52, v43  }
0x79: {  	v60 =	vmul.f32 v43, v43;
	v61 =	vadd.f32 v56, v58;
	v53 =	vadd.f32 v53, v63  }
0x7a: {  	v55 =	vadd.f32 v42, v45;
	v62 =	vadd.f32 v47, v59  }
0x7b: {  	v56 =	vmul.f32 v47, v47;
	v51 =	vadd.f32 v51, v57;
	v63 =	vadd.f32 v53, v60  }
0x7c: {  	v50 =	vadd.f32 v61, v50;
	v42 =	vadd.f32 v55, v62  }
0x7d: {  	v57 =	vmul.f32 v55, v55;
	v45 =	vadd.f32 v56, v63  }
0x7e: {  	v51 =	vadd.f32 v51, v48;
	v42 =	vadd.f32 v50, v42  }
0x7f: {  	v58 =	vmul.f32 v50, v50;
	v45 =	vadd.f32 v57, v45  }
0x80: {  	v42 =	vadd.f32 v51, v42  }
0x81: {  	v59 =	vmul.f32 v51, v51;
	v45 =	vadd.f32 v58, v45  }
0x82: {  	(xrf2) =	vadd.scan.msk.f32 $0xffff, v42  }
0x83: {  	v60 =	vadd.f32 v59, v45;
	_ =	sdelay $0x1  }
0x84: {  	(xrf2) =	vadd.scan.msk.f32 $0xffff, v60;
	_ =	sdelay $0x6  }
0x85: {  	v61, _, _ =	vpop (xrf2)  }
0x86: {  	(v2sf) =	vpush v61, $0xF;
	_ =	sdelay $0x1  }
0x87: {  	v62, _, _ =	vpop (xrf2)  }
0x88: {  	(v2sf) =	vpush v62, $0xF;
	_ =	sdelay $0xb  }
0x89: {  	s29 =	spop (v2sf)  }
0x8a: {  	s0 =	smul.f32 $7.812500000e-03, s29;
	_ =	sdelay $0x1  }
0x8b: {  	s29 =	spop (v2sf);
	s28 =	smul.f32 s0, s0  }
0x8c: {  	s29 =	smul.f32 $7.812500000e-03, s29;
	_ =	sdelay $0x1  }
0x8d: {  	s28 =	ssub.f32 s29, s28;
	_ =	sdelay $0x1  }
0x8e: {  	s28 =	sadd.f32 $9.999999960e-13, s28;
	_ =	sdelay $0x1  }
0x8f: {  	s29 =	sshra.s32 s28, $0x1;
	s30 =	smul.f32 $5.000000000e-01, s28  }
0x90: {  	s31 =	ssub.s32 $0x5F3759DF, s29  }
0x91: {  	v63 =	vmov s0;
	s29 =	smul.f32 s31, s30  }
0x92: {  	v42 =	vsub.f32 v41, v63;
	v45 =	vsub.f32 v43, v63  }
0x93: {  	v43 =	vsub.f32 v46, v63;
	v41 =	vsub.f32 v44, v63;
	s0 =	smul.f32 s31, s29  }
0x94: {  	v47 =	vsub.f32 v47, v63;
	v46 =	vsub.f32 v55, v63  }
0x95: {  	v48 =	vsub.f32 v50, v63;
	v44 =	vsub.f32 v51, v63;
	s28 =	simm.s32 $0x200;
	s0 =	ssub.f32 $1.500000000e+00, s0  }
.LBB2_3:
0x96: {  	p0 =	sne.s32 s28, $0xFE00  }
0x97: {  	s26 =	sadd.s32 $0x1, s26;
	s29 =	smov.u32 s28;
	s28 =	sadd.s32 $0x200, s28  }
0x98: {  	s0 =	smul.f32 s31, s0;
	_ =	sdelay $0x1  }
0x99: {  	s31 =	smul.f32 s0, s30;
	_ =	sdelay $0x1  }
0x9a: {  	s31 =	smul.f32 s31, s0;
	_ =	sdelay $0x1  }
0x9b: {  	s31 =	ssub.f32 $1.500000000e+00, s31;
	_ =	sdelay $0x1  }
0x9c: {  	s0 =	smul.f32 s31, s0;
	_ =	sdelay $0x1  }
0x9d: {  	s31 =	smul.f32 s0, s30;
	_ =	sdelay $0x1  }
0x9e: {  	s31 =	smul.f32 s31, s0;
	_ =	sdelay $0x1  }
0x9f: {  	s31 =	ssub.f32 $1.500000000e+00, s31;
	_ =	sdelay $0x1  }
0xa0: {  	s0 =	smul.f32 s31, s0;
	_ =	sdelay $0x1  }
0xa1: {  	s30 =	smul.f32 s0, s30;
	_ =	sdelay $0x1  }
0xa2: {  	s30 =	smul.f32 s30, s0;
	_ =	sdelay $0x1  }
0xa3: {  	s30 =	ssub.f32 $1.500000000e+00, s30;
	_ =	sdelay $0x1  }
0xa4: {  	s0 =	smul.f32 s30, s0;
	_ =	sdelay $0x1  }
0xa5: {  	v42 =	vmul.f32 s0, v42;
	v45 =	vmul.f32 s0, v45  }
0xa6: {  	v43 =	vmul.f32 s0, v43;
	v41 =	vmul.f32 s0, v41  }
0xa7: {  	v47 =	vmul.f32 s0, v47;
	v45 =	vmul.f32 v45, v11  }
0xa8: {  	v46 =	vmul.f32 s0, v46;
	v48 =	vmul.f32 s0, v48  }
0xa9: {  	v44 =	vmul.f32 s0, v44;
	v47 =	vmul.f32 v47, v12;
	v45 =	vadd.f32 v45, v27  }
0xaa: {  	v46 =	vmul.f32 v46, v13;
	v48 =	vmul.f32 v48, v14  }
0xab: {  	v42 =	vmul.f32 v42, v8;
	v41 =	vmul.f32 v41, v10;
	[tilespmem:s25+$0x104B0] =	vst v45;
	v45 =	vadd.f32 v47, v30  }
0xac: {  	v44 =	vmul.f32 v44, v15;
	v46 =	vadd.f32 v46, v33;
	v47 =	vadd.f32 v48, v36  }
0xad: {  	v43 =	vmul.f32 v43, v9;
	v42 =	vadd.f32 v42, v18;
	v41 =	vadd.f32 v41, v24;
	[tilespmem:s25+$0x104C0] =	vst v45  }
0xae: {  	v44 =	vadd.f32 v44, v39;
	[tilespmem:s25+$0x104D0] =	vst v46  }
0xaf: {  	v43 =	vadd.f32 v43, v21;
	[tilespmem:s25+$0x104E0] =	vst v47  }
0xb0: {  	[tilespmem:s25+$0x104F0] =	vst v44  }
0xb1: {  	s0 =	sshra.s32 s29, $0x2;
	[tilespmem:s25+$0x10490] =	vst v43  }
0xb2: {  	v43 =	vld [tilespmem:s0+$0x104B0];
	[tilespmem:s25+$0x10480] =	vst v42  }
0xb3: {  	[tilespmem:s25+$0x104A0] =	vst v41;
	s25 =	smov.u32 s0  }
0xb4: {  	v41 =	vld [tilespmem:s26+$0x0];
	_ =	sdelay $0x4  }
0xb5: {  	(v2sf) =	vpush v41, $0x0;
	_ =	sdelay $0x4  }
0xb6: {  	v41 =	vld.idx.msk [tilespmem:v40+s25+$0xFFFFFFC0 ss:$0x1], $0xffff;
	_ =	sdelay $0x1  }
0xb7: {  	v42 =	vld [tilespmem:s25+$0x10480]  }
0xb8: {  	v44 =	vld.idx.msk [tilespmem:v40+s25+$0xFFFFFFD0 ss:$0x1], $0xffff;
	_ =	sdelay $0x1  }
0xb9: {  	v45 =	vld [tilespmem:s25+$0x10490];
	_ =	sdelay $0x2  }
0xba: {  	v41 =	vadd.f32 v41, v42;
	_ =	sdelay $0x1  }
0xbb: {  	s29 =	simm.f32 $1.000000000e+00;
	v42 =	vadd.f32 v44, v45;
	s0 =	spop (v2sf)  }
0xbc: {  	p1 =	sgt.s32 s0, $0x0;
	p2 =	sgt.s32 s0, $0x1;
	s0 =	simm.f32 $1.000000000e+00  }
0xbd: {  	s0 =	simm.s32 @!p1 $0x0;
	s29 =	simm.s32 @!p2 $0x0;
	v44 =	vld.idx.msk [tilespmem:v40+s25+$0xFFFFFFE0 ss:$0x1], $0xffff  }
0xbe: {  	v45 =	vmul.f32 s0, v16;
	v46 =	vld.idx.msk [tilespmem:v40+s25+$0xFFFFFFF0 ss:$0x1], $0xffff;
	v47 =	vmul.f32 s0, v25  }
0xbf: {  	v48 =	vmul.f32 s29, v26;
	v50 =	vmul.f32 s0, v19;
	v49 =	vld [tilespmem:s25+$0x104A0]  }
0xc0: {  	v51 =	vmul.f32 s29, v23;
	v45 =	vadd.f32 v45, v0;
	v47 =	vadd.f32 v47, v5  }
0xc1: {  	v52 =	vmul.f32 s29, v28;
	v53 =	vmul.f32 s0, v20;
	v50 =	vadd.f32 v50, v2  }
0xc2: {  	v54 =	vmul.f32 s0, v22;
	v45 =	vadd.f32 v45, v51;
	v51 =	vmul.f32 s0, v17  }
0xc3: {  	v50 =	vadd.f32 v50, v52;
	v52 =	vadd.f32 v53, v3;
	v53 =	vmul.f32 s29, v29  }
0xc4: {  	v43 =	vadd.f32 v46, v43;
	v41 =	vadd.f32 v45, v41;
	v45 =	vmul.f32 s29, v34  }
0xc5: {  	v46 =	vadd.f32 v52, v53;
	v52 =	vadd.f32 v54, v4;
	v53 =	vmul.f32 s29, v32  }
0xc6: {  	v51 =	vadd.f32 v51, v1;
	v54 =	vmul.f32 v41, v41;
	v45 =	vadd.f32 v47, v45  }
0xc7: {  	v43 =	vadd.f32 v43, v46;
	v47 =	vadd.f32 v52, v53;
	v52 =	vmul.f32 s0, v31;
	v46 =	vld.idx.msk [tilespmem:v40+s25+$0x0 ss:$0x1], $0xffff  }
0xc8: {  	v44 =	vadd.f32 v44, v49;
	v48 =	vadd.f32 v51, v48;
	v51 =	vmul.f32 s0, v37;
	v49 =	vld [tilespmem:s25+$0x104C0]  }
0xc9: {  	v55 =	vmul.f32 s29, v35;
	v56 =	vmul.f32 s29, v38;
	v52 =	vadd.f32 v52, v6;
	v53 =	vld.idx.msk [tilespmem:v40+s25+$0x10 ss:$0x1], $0xffff  }
0xca: {  	v48 =	vadd.f32 v48, v42;
	v42 =	vmul.f32 v43, v43;
	v51 =	vadd.f32 v51, v7;
	v57 =	vld [tilespmem:s25+$0x104D0]  }
0xcb: {  	v44 =	vadd.f32 v50, v44;
	v52 =	vadd.f32 v52, v55;
	v50 =	vld.idx.msk [tilespmem:v40+s25+$0x20 ss:$0x1], $0xffff  }
0xcc: {  	v55 =	vadd.f32 v48, v41;
	v58 =	vmul.f32 v48, v48;
	v51 =	vadd.f32 v51, v56;
	v59 =	vld [tilespmem:s25+$0x104E0]  }
0xcd: {  	v46 =	vadd.f32 v46, v49;
	v49 =	vld.idx.msk [tilespmem:v40+s25+$0x30 ss:$0x1], $0xffff  }
0xce: {  	v56 =	vmul.f32 v44, v44;
	v54 =	vadd.f32 v58, v54;
	v55 =	vadd.f32 v55, v44;
	v58 =	vld [tilespmem:s25+$0x104F0]  }
0xcf: {  	v46 =	vadd.f32 v46, v47;
	v47 =	vadd.f32 v53, v57  }
0xd0: {  	v53 =	vadd.f32 v54, v56;
	v54 =	vadd.f32 v55, v43  }
0xd1: {  	v55 =	vadd.f32 v47, v45;
	v45 =	vadd.f32 v50, v59  }
0xd2: {  	v42 =	vadd.f32 v53, v42;
	v47 =	vadd.f32 v46, v54;
	v50 =	vmul.f32 v46, v46  }
0xd3: {  	v52 =	vadd.f32 v45, v52;
	v45 =	vadd.f32 v49, v58  }
0xd4: {  	v42 =	vadd.f32 v50, v42;
	v47 =	vadd.f32 v55, v47;
	v49 =	vmul.f32 v55, v55  }
0xd5: {  	v50 =	vadd.f32 v45, v51  }
0xd6: {  	v42 =	vadd.f32 v49, v42;
	v45 =	vadd.f32 v52, v47;
	v47 =	vmul.f32 v52, v52;
	_ =	sdelay $0x1  }
0xd7: {  	v42 =	vadd.f32 v47, v42;
	v45 =	vadd.f32 v50, v45;
	v47 =	vmul.f32 v50, v50;
	_ =	sdelay $0x1  }
0xd8: {  	v42 =	vadd.f32 v47, v42;
	(xrf2) =	vadd.scan.msk.f32 $0xffff, v45;
	_ =	sdelay $0x2  }
0xd9: {  	(xrf2) =	vadd.scan.msk.f32 $0xffff, v42;
	_ =	sdelay $0x6  }
0xda: {  	v42, _, _ =	vpop (xrf2)  }
0xdb: {  	(v2sf) =	vpush v42, $0xF;
	_ =	sdelay $0x1  }
0xdc: {  	v42, _, _ =	vpop (xrf2)  }
0xdd: {  	(v2sf) =	vpush v42, $0xF;
	_ =	sdelay $0xb  }
0xde: {  	s0 =	spop (v2sf)  }
0xdf: {  	s0 =	smul.f32 $7.812500000e-03, s0;
	_ =	sdelay $0x1  }
0xe0: {  	s29 =	smul.f32 s0, s0;
	v49 =	vmov s0;
	s0 =	spop (v2sf)  }
0xe1: {  	s0 =	smul.f32 $7.812500000e-03, s0  }
0xe2: {  	v42 =	vsub.f32 v41, v49;
	v45 =	vsub.f32 v43, v49  }
0xe3: {  	v43 =	vsub.f32 v48, v49;
	v41 =	vsub.f32 v44, v49;
	s0 =	ssub.f32 s0, s29  }
0xe4: {  	v47 =	vsub.f32 v46, v49;
	v46 =	vsub.f32 v55, v49  }
0xe5: {  	v48 =	vsub.f32 v52, v49;
	v44 =	vsub.f32 v50, v49;
	s0 =	sadd.f32 $9.999999960e-13, s0;
	_ =	sdelay $0x1  }
0xe6: {  	s29 =	sshra.s32 s0, $0x1;
	s30 =	smul.f32 $5.000000000e-01, s0  }
0xe7: {  	s31 =	ssub.s32 $0x5F3759DF, s29  }
0xe8: {  	s0 =	smul.f32 s31, s30  }
.Ltmp0:
0xe9: {  	(pc) =	sbr.rel @p0 .LBB2_3-.Ltmp0, $3  }
0xea: {  	_ = 	snop  }
0xeb: {  	s0 =	smul.f32 s31, s0;
	_ =	sdelay $0x1  }
0xec: {  	s0 =	ssub.f32 $1.500000000e+00, s0  }
0xed: {  	_ = 	snop  }
0xee: {  	s0 =	smul.f32 s31, s0;
	_ =	sdelay $0x1  }
0xef: {  	s26 =	smul.f32 s0, s30;
	_ =	sdelay $0x1  }
0xf0: {  	s26 =	smul.f32 s26, s0;
	_ =	sdelay $0x1  }
0xf1: {  	s26 =	ssub.f32 $1.500000000e+00, s26;
	_ =	sdelay $0x1  }
0xf2: {  	s0 =	smul.f32 s26, s0;
	_ =	sdelay $0x1  }
0xf3: {  	s26 =	smul.f32 s0, s30;
	_ =	sdelay $0x1  }
0xf4: {  	s26 =	smul.f32 s26, s0;
	_ =	sdelay $0x1  }
0xf5: {  	s26 =	ssub.f32 $1.500000000e+00, s26;
	_ =	sdelay $0x1  }
0xf6: {  	s0 =	smul.f32 s26, s0;
	_ =	sdelay $0x1  }
0xf7: {  	s26 =	smul.f32 s0, s30;
	_ =	sdelay $0x1  }
0xf8: {  	s26 =	smul.f32 s26, s0;
	_ =	sdelay $0x1  }
0xf9: {  	s26 =	ssub.f32 $1.500000000e+00, s26;
	_ =	sdelay $0x1  }
0xfa: {  	s0 =	smul.f32 s26, s0;
	_ =	sdelay $0x1  }
0xfb: {  	v40 =	vmul.f32 s0, v45  }
0xfc: {  	v58 =	vmul.f32 s0, v47  }
0xfd: {  	v46 =	vmul.f32 s0, v46;
	v40 =	vmul.f32 v40, v11  }
0xfe: {  	v59 =	vmul.f32 s0, v48;
	v45 =	vmul.f32 v58, v12  }
0xff: {  	v44 =	vmul.f32 s0, v44;
	v46 =	vmul.f32 v46, v13;
	v40 =	vadd.f32 v40, v27  }
0x100: {  	v43 =	vmul.f32 s0, v43;
	v47 =	vmul.f32 v59, v14;
	v45 =	vadd.f32 v45, v30  }
0x101: {  	v42 =	vmul.f32 s0, v42;
	v44 =	vmul.f32 v44, v15;
	v60 =	vadd.f32 v46, v33;
	[tilespmem:s25+$0x104B0] =	vst v40  }
0x102: {  	v41 =	vmul.f32 s0, v41;
	v43 =	vmul.f32 v43, v9;
	v61 =	vadd.f32 v47, v36;
	[tilespmem:s25+$0x104C0] =	vst v45  }
0x103: {  	v42 =	vmul.f32 v42, v8;
	v62 =	vadd.f32 v44, v39;
	[tilespmem:s25+$0x104D0] =	vst v60  }
0x104: {  	v41 =	vmul.f32 v41, v10;
	v43 =	vadd.f32 v43, v21;
	[tilespmem:s25+$0x104E0] =	vst v61  }
0x105: {  	v42 =	vadd.f32 v42, v18;
	[tilespmem:s25+$0x104F0] =	vst v62  }
0x106: {  	s23 =	sadd.s32 $0x1, s23;
	v63 =	vadd.f32 v41, v24;
	[tilespmem:s25+$0x10490] =	vst v43  }
0x107: {  	s31 =	sshll.u32 s24, $0x4;
	p0 =	sne.s32 s23, $0x80;
	[tilespmem:s25+$0x10480] =	vst v42  }
.Ltmp1:
0x108: {  	s0 =	sadd.s32 s6, s31;
	[tilespmem:s25+$0x104A0] =	vst v63;
	(pc) =	sbr.rel @p0 .LBB2_2-.Ltmp1, $4  }
0x109: {  	[hbm4b:s0+s7] =	stream.linear.scatter [tilespmem:s19], [sflag:$0x2], $0x4000, $0x38;
	[tilespmem:$0x14480] =	vst v63  }
0x10a: {  	_ =	swait.ge [sflag:s13], $0x4000  }
0x10b: {  	[sflag:s13] =	ssyncset.done $0x0  }
0x10c: {  	s22 =	sadd.s32 $0x1, s22;
	[sflag:s13] =	ssyncadd.s32 $0xFFFFC000  }
0x10d: {  	s21 =	sadd.s32 $0x1, s21  }
0x10e: {  	p0 =	sne.s32 s21, s12  }
.Ltmp2:
0x10f: {  	_ = 	snop;
	(pc) =	sbr.rel @p0 .LBB2_1-.Ltmp2, $1  }
0x110: {  	_ =	sdelay $0x3  }
0x111: {  	_ =	sfence.sel $0x180000  }
0x112: {  	[bflag:$0x0] =	sbarrier.arrive $0xFFFF  }
0x113: {  	_ =	strace $0x90000047  }
0x114: {  	[bflag:$0x2] =	sbarrier.arrive $0xFFFF  }
0x115: {  	p0 =	sne.s32 s8, $0x0;
	s0 =	rddreg [dreg:$0x7]  }
0x116: {  	s0 =	sadd.s32 @!p0 $0x100000, s0  }
0x117: {  	[sflag:s0] =	ssyncadd.tile.s32 @!p0 $0x1;
	_ =	shalt  }
.Lfunc_end2:
_tile_overlayer_lowered:
.L_overlay_start_2:
0x118: {  	(tag) =	ssettag $0x2  }
0x119: {  	s0 =	rddreg [dreg:$0x0];
	s2 =	stileid.u32  }
0x11a: {  	s1 =	rddreg [dreg:$0x1];
	p0 =	sne.s32 s2, $0x0  }
0x11b: {  	s3 =	rddreg [dreg:$0x2];
	[bflag:$0x3] =	sbarrier.arrive $0xFFFF;
	s2 =	simm.s32 @!p0 $0x1C02  }
0x11c: {  	[timem:s3], [sflag:s2] =	dma.local @!p0 [hbm:s0], s1  }
0x11d: {  	s0 =	simm.s32 @!p0 $0x2  }
0x11e: {  	_ =	swait.ge @!p0 [sflag:s0], s1  }
0x11f: {  	s1 =	ssub.s32 @!p0 $0x0, s1;
	[sflag:s0] =	ssyncset.done @!p0 $0x0  }
0x120: {  	[sflag:s0] =	ssyncadd.s32 @!p0 s1  }
0x121: {  	[bflag:$0x3] =	sbarrier.arrive $0xFFFF  }
0x122: {  	_ =	shalt  }

</sc_bundles>
